<compile_context>
chip_gen: v7x
topology: tpu7x:2x2x1
jax: 0.10.2.dev20260603
libtpu: 0.0.44.dev20260713+nightly
codegen_flags: <defaults>
</compile_context>

<pallas_src>
import jax
import jax.numpy as jnp
from jax import lax
from jax.experimental import pallas as pl
from jax.experimental.pallas import tpu as pltpu
from jax.experimental.pallas import tpu_sc as plsc

N = 100000
E = 1600000
EPS = 1e-3
EPS2 = EPS * EPS

NC, NS, L = 2, 16, 16
NW = NC * NS
PTS = N // NW
OFFS_BUF = 3152
OFFS_AL_MAX = ((N + 1 - OFFS_BUF) // 8) * 8
NZ_BUF = 3152
SEG = 4096
SEG_MAX = E - SEG
UNROLL = 4
SP_ROWS, SP_COLS = 784, 128

INT_MAX = 0x7FFFFFFF
MAGIC = 0x5F3759DF


def _softplus_body(x_ref, o_ref):
    z = 10.0 * x_ref[...]
    sp = jnp.log1p(jnp.exp(-jnp.abs(z))) + jnp.maximum(z, 0.0)
    o_ref[...] = sp * 0.1


def _sc_body(d_hbm, adj_hbm, offs_hbm, out_hbm,
             d_v, offs_v, nzs_v, nzr_v, adj_v, zs_v, acc_v,
             d_sem, seg_sem):
    cid = lax.axis_index("c")
    sid = lax.axis_index("s")
    wid = cid * NS + sid
    R0 = wid * PTS

    d_cp = pltpu.async_copy(d_hbm, d_v, d_sem)

    al = jnp.minimum(lax.bitwise_and(R0, -8), OFFS_AL_MAX)
    al = pl.multiple_of(al, 8)
    delta = R0 - al
    pltpu.sync_copy(offs_hbm.at[pl.ds(al, OFFS_BUF)], offs_v)

    iota = lax.iota(jnp.int32, L)
    delta_vec = jnp.full((L,), delta, jnp.int32)
    r0_vec = jnp.full((L,), R0, jnp.int32)

    ev0 = plsc.load_gather(offs_v, [delta_vec])
    ev1_raw = plsc.load_gather(
        offs_v, [jnp.minimum(delta_vec + PTS, OFFS_BUF - 1)])
    ev1 = jnp.where(r0_vec + PTS >= N, E, ev1_raw)
    e0al_vec = lax.bitwise_and(ev0, -8)
    e0al_s = jnp.max(e0al_vec)
    e1_s = jnp.max(ev1)
    n_seg = (e1_s - e0al_s + (SEG - 1)) // SEG

    def _start_seg(s, parity):
        start = jnp.minimum(e0al_s + s * SEG, SEG_MAX)
        start = pl.multiple_of(start, 8)
        boff = pl.multiple_of(parity * SEG, 8)
        return pltpu.async_copy(adj_hbm.at[pl.ds(start, SEG)],
                                adj_v.at[pl.ds(boff, SEG)],
                                seg_sem.at[parity])

    _start_seg(0, 0)

    def comp_body(c, p_vec):
        r = c * L + iota
        gi = delta_vec + r
        o_lo = plsc.load_gather(offs_v, [jnp.minimum(gi, OFFS_BUF - 1)])
        o_hi = plsc.load_gather(offs_v, [jnp.minimum(gi + 1, OFFS_BUF - 1)])
        o_hi = jnp.where(r0_vec + r >= N - 1, E, o_hi)
        m = jnp.logical_and(r < PTS, o_hi > o_lo)
        cs = plsc.cumsum(m.astype(jnp.int32))
        idx = p_vec + cs - 1
        plsc.store_scatter(nzs_v, [idx], o_lo, mask=m)
        plsc.store_scatter(nzr_v, [idx], r0_vec + r, mask=m)
        return p_vec + plsc.all_reduce_population_count(m)
    p_vec = lax.fori_loop(0, (PTS + 2 * L - 1) // L, comp_body,
                          jnp.zeros((L,), jnp.int32))
    plsc.store_scatter(nzs_v, [p_vec + iota],
                       jnp.full((L,), INT_MAX, jnp.int32))

    d_cp.wait()

    zv = jnp.zeros((L,), jnp.int32)

    def seg_body(s, carry):
        p = lax.bitwise_and(s, 1)
        _start_seg(s + 1, lax.bitwise_and(s + 1, 1))
        boff = pl.multiple_of(p * SEG, 8)
        pltpu.make_async_copy(adj_hbm.at[pl.ds(0, SEG)],
                              adj_v.at[pl.ds(boff, SEG)],
                              seg_sem.at[p]).wait()
        seg_raw = e0al_s + s * SEG
        shift = seg_raw - jnp.minimum(seg_raw, SEG_MAX)
        seg_vec = e0al_vec + s * SEG
        rem = e1_s - seg_raw
        n_ch = jnp.minimum(SEG // L, jnp.maximum(0, (rem + (L - 1)) // L))
        n_grp = (n_ch + (UNROLL - 1)) // UNROLL
        clamp_hi = p * SEG + (SEG - 1)
        base0 = p * SEG + shift

        def grp_body(g, carry2):
            k_vec, acc = carry2
            for u in range(UNROLL):
                j16 = g * (UNROLL * L) + u * L
                eb = seg_vec + j16
                pos = eb + iota
                aidx = jnp.minimum(base0 + j16 + iota, clamp_hi)
                adjv = plsc.load_gather(adj_v, [aidx])
                w = k_vec + iota
                ws = plsc.load_gather(nzs_v, [w])
                wr = plsc.load_gather(nzr_v, [w])
                rel = ws - eb
                m = plsc.bitcast(rel, jnp.uint32) < L
                zr = zs_v.at[pl.ds(u * L, L)]
                zr[...] = zv
                plsc.store_scatter(zr, [rel], wr, mask=m)
                cr = plsc.load_gather(nzr_v, [jnp.maximum(k_vec - 1, 0)])
                cz = plsc.cummax(plsc.bitcast(zr[...], jnp.uint32))
                src = plsc.bitcast(
                    jnp.maximum(cz, plsc.bitcast(cr, jnp.uint32)), jnp.int32)
                dn = plsc.load_gather(d_v, [adjv])
                ds = plsc.load_gather(d_v, [src])
                diff = ds - dn
                q = diff * diff + EPS2
                yi = MAGIC - lax.shift_right_logical(
                    plsc.bitcast(q, jnp.int32), 1)
                y = plsc.bitcast(yi, jnp.float32)
                y = y * (1.5 - 0.5 * q * y * y)
                s_val = q * y
                valid = jnp.logical_and(pos >= ev0, pos < ev1)
                acc = acc + jnp.where(valid, s_val - EPS, 0.0)
                k_vec = k_vec + plsc.all_reduce_population_count(m)
            return (k_vec, acc)

        return lax.fori_loop(0, n_grp, grp_body, carry)

    _, acc = lax.fori_loop(
        0, n_seg, seg_body,
        (jnp.zeros((L,), jnp.int32), jnp.zeros((L,), jnp.float32)))
    fin = pl.multiple_of(lax.bitwise_and(n_seg, 1) * SEG, 8)
    pltpu.make_async_copy(adj_hbm.at[pl.ds(0, SEG)],
                          adj_v.at[pl.ds(fin, SEG)],
                          seg_sem.at[lax.bitwise_and(n_seg, 1)]).wait()
    acc_v[...] = acc
    pltpu.sync_copy(acc_v, out_hbm.at[wid])


_sc_kernel = pl.kernel(
    _sc_body,
    out_type=jax.ShapeDtypeStruct((NW, L), jnp.float32),
    mesh=plsc.VectorSubcoreMesh(core_axis_name="c", subcore_axis_name="s",
                                num_cores=NC, num_subcores=NS),
    compiler_params=pltpu.CompilerParams(needs_layout_passes=False),
    scratch_types=[
        pltpu.VMEM((N,), jnp.float32),
        pltpu.VMEM((OFFS_BUF,), jnp.int32),
        pltpu.VMEM((NZ_BUF,), jnp.int32),
        pltpu.VMEM((NZ_BUF,), jnp.int32),
        pltpu.VMEM((2 * SEG,), jnp.int32),
        pltpu.VMEM((UNROLL * L,), jnp.int32),
        pltpu.VMEM((L,), jnp.float32),
        pltpu.SemaphoreType.DMA,
        pltpu.SemaphoreType.DMA((2,)),
    ],
)


def kernel(density, point_adjacency, point_adjacency_offsets):
    dpad = jnp.pad(density[:, 0], (0, SP_ROWS * SP_COLS - N))
    d2 = pl.pallas_call(
        _softplus_body,
        out_shape=jax.ShapeDtypeStruct((SP_ROWS, SP_COLS), jnp.float32),
    )(dpad.reshape(SP_ROWS, SP_COLS))
    d_flat = d2.reshape(-1)[:N]
    partial = _sc_kernel(d_flat, point_adjacency.astype(jnp.int32),
                         point_adjacency_offsets.astype(jnp.int32))
    return jnp.sum(partial) / E

# --- scband reference (transcript-rebuilt; emitter-appended) ---
"""Pipeline reference for scband-ctscene-47691316855280 (READ-ONLY COPY).

The authoritative reference and input builder live on the scoring server;
editing this copy changes nothing except your own understanding.
"""

import jax, jax.numpy as jnp
import numpy as np

N = 100000          # number of primal points (Voronoi sites)
E = 1600000         # total ragged adjacency entries (avg degree ~16)
ACTIVATION_SCALE = 1.0
EPSILON = 1e-3


def setup_inputs(seed: int = 0) -> dict:
    key = jax.random.key(seed)
    k1, k2, k3 = jax.random.split(key, 3)
    # learned raw density parameter (pre-softplus), shape [N, 1]
    density = jax.random.normal(k1, (N, 1), dtype=jnp.float32) * 0.1
    # ragged Voronoi adjacency list (CSR values): neighbor point indices
    point_adjacency = jax.random.randint(k2, (E,), 0, N, dtype=jnp.int32)
    # CSR offsets: sorted, first=0, last=E (ragged row lengths)
    offsets = jnp.sort(jax.random.randint(k3, (N + 1,), 0, E + 1, dtype=jnp.int32))
    offsets = offsets.at[0].set(0)
    offsets = offsets.at[-1].set(E)
    return {
        "density": density,
        "point_adjacency": point_adjacency,
        "point_adjacency_offsets": offsets,
    }


def reference(density, point_adjacency, point_adjacency_offsets):
    # get_primal_density: activation_scale * softplus(density, beta=10)
    # torch softplus with beta: (1/beta) * log(1 + exp(beta * x))
    d = ACTIVATION_SCALE * (jax.nn.softplus(10.0 * density) / 10.0)
    d = d[:, 0]  # squeeze -> [N]
    offsets = point_adjacency_offsets.astype(jnp.int32)
    adj = point_adjacency.astype(jnp.int32)
    counts = offsets[1:] - offsets[:-1]
    # source = repeat_interleave(arange(N), counts) -> [E]
    source = jnp.repeat(jnp.arange(N, dtype=jnp.int32), counts, total_repeat_length=E)
    diff = d[source] - d[adj]
    edge_loss = jnp.sqrt(diff ** 2 + EPSILON ** 2) - EPSILON
    return jnp.mean(edge_loss)

if __name__ == "__main__":
    import jax
    _d = setup_inputs()
    print(jax.jit(kernel)(*tuple(_d.values())))

</pallas_src>

<mosaic_0001>
#map = affine_map<(d0, d1) -> (0)>
#map1 = affine_map<(d0, d1) -> (0, 0)>
module attributes {stable_mosaic.version = 14 : i64} {
  func.func @_sc_body(%arg0: i32, %arg1: i32, %arg2: memref<100000xf32, #tpu.memory_space<hbm>>, %arg3: memref<1600000xi32, #tpu.memory_space<hbm>>, %arg4: memref<100001xi32, #tpu.memory_space<hbm>>, %arg5: memref<32x16xf32, #tpu.memory_space<hbm>>, %arg6: memref<100000xf32, #tpu.memory_space<vmem>>, %arg7: memref<3152xi32, #tpu.memory_space<vmem>>, %arg8: memref<3152xi32, #tpu.memory_space<vmem>>, %arg9: memref<3152xi32, #tpu.memory_space<vmem>>, %arg10: memref<8192xi32, #tpu.memory_space<vmem>>, %arg11: memref<64xi32, #tpu.memory_space<vmem>>, %arg12: memref<16xf32, #tpu.memory_space<vmem>>, %arg13: memref<!tpu.dma_semaphore, #tpu.memory_space<semaphore_mem>>, %arg14: memref<2x!tpu.dma_semaphore, #tpu.memory_space<semaphore_mem>>) attributes {dimension_semantics = [#tpu.dimension_semantics<core_parallel>, #tpu.dimension_semantics<subcore_parallel>], iteration_bounds = array<i64: 2, 16>, scalar_prefetch = 0 : i64, scratch_operands = 9 : i64, tpu.core_type = #tpu.core_type<sc_vector_subcore>, window_params = [{transform_indices = #map}, {transform_indices = #map}, {transform_indices = #map}, {transform_indices = #map1}]} {
    %mul3A = arith.constant 16 : i32
    %mul3A_0 = arith.muli %arg0, %mul3A : i32
    %add3A = arith.addi %mul3A_0, %arg1 : i32
    %mul3A_1 = arith.constant 3125 : i32
    %mul3A_2 = arith.muli %add3A, %mul3A_1 : i32
    tpu.enqueue_dma source(%arg2 : memref<100000xf32, #tpu.memory_space<hbm>>) target(%arg6 : memref<100000xf32, #tpu.memory_space<vmem>>) target_semaphore(%arg13 : memref<!tpu.dma_semaphore, #tpu.memory_space<semaphore_mem>>)
    %and3A = arith.constant -8 : i32
    %and3A_3 = arith.andi %mul3A_2, %and3A : i32
    %min3A = arith.constant 96848 : i32
    %min3A_4 = arith.minsi %and3A_3, %min3A : i32
    %multiple_of3A = tpu.assume_multiple %min3A_4, 8 : i32
    %sub3A = arith.subi %mul3A_2, %multiple_of3A : i32
    "tpu.region"() ({
      %run_scoped3A = tpu.sem_alloc : memref<!tpu.dma_semaphore, #tpu.memory_space<semaphore_mem>>
      %dma_start3A_114 = tpu.memref_slice %arg4[%multiple_of3A] : memref<100001xi32, #tpu.memory_space<hbm>> -> memref<3152xi32, #tpu.memory_space<hbm>>
      %dma_start3A_115 = tpu.memref_slice %arg4[%multiple_of3A] : memref<100001xi32, #tpu.memory_space<hbm>> -> memref<3152xi32, #tpu.memory_space<hbm>>
      tpu.enqueue_dma source(%dma_start3A_115 : memref<3152xi32, #tpu.memory_space<hbm>>) target(%arg7 : memref<3152xi32, #tpu.memory_space<vmem>>) target_semaphore(%run_scoped3A : memref<!tpu.dma_semaphore, #tpu.memory_space<semaphore_mem>>)
      %dma_wait3A_116 = tpu.memref_slice %arg4[%multiple_of3A] : memref<100001xi32, #tpu.memory_space<hbm>> -> memref<3152xi32, #tpu.memory_space<hbm>>
      %dma_wait3A_117 = tpu.memref_slice %arg4[%multiple_of3A] : memref<100001xi32, #tpu.memory_space<hbm>> -> memref<3152xi32, #tpu.memory_space<hbm>>
      tpu.wait_dma2 semaphore(%run_scoped3A : memref<!tpu.dma_semaphore, #tpu.memory_space<semaphore_mem>>) src(%dma_wait3A_117 : memref<3152xi32, #tpu.memory_space<hbm>>) dst(%arg7 : memref<3152xi32, #tpu.memory_space<vmem>>)
      tpu.yield
    }) : () -> ()
    %iota3A = tpu.iota {dimensions = array<i32: 0>} : vector<16xi32>
    %broadcast_in_dim3A = vector.broadcast %sub3A : i32 to vector<16xi32>
    %broadcast_in_dim3A_5 = vector.broadcast %mul3A_2 : i32 to vector<16xi32>
    %gather3A = tpu.vector_load_idx %arg7[%broadcast_in_dim3A] : memref<3152xi32, #tpu.memory_space<vmem>>[vector<16xi32>], vector<16xi32>,
    %add3A_6 = arith.constant 3125 : i32
    %add3A_7 = vector.broadcast %add3A_6 : i32 to vector<16xi32>
    %add3A_8 = arith.addi %broadcast_in_dim3A, %add3A_7 : vector<16xi32>
    %min3A_9 = arith.constant 3151 : i32
    %min3A_10 = vector.broadcast %min3A_9 : i32 to vector<16xi32>
    %min3A_11 = arith.minsi %add3A_8, %min3A_10 : vector<16xi32>
    %gather3A_12 = tpu.vector_load_idx %arg7[%min3A_11] : memref<3152xi32, #tpu.memory_space<vmem>>[vector<16xi32>], vector<16xi32>,
    %add3A_13 = arith.constant 3125 : i32
    %add3A_14 = vector.broadcast %add3A_13 : i32 to vector<16xi32>
    %add3A_15 = arith.addi %broadcast_in_dim3A_5, %add3A_14 : vector<16xi32>
    %ge3A = arith.constant 100000 : i32
    %ge3A_16 = vector.broadcast %ge3A : i32 to vector<16xi32>
    %ge3A_17 = arith.cmpi sge, %add3A_15, %ge3A_16 : vector<16xi32>
    %jit3A = arith.constant 1600000 : i32
    %broadcast_in_dim3A_18 = vector.broadcast %jit3A : i32 to vector<16xi32>
    %select_n3A = arith.select %ge3A_17, %broadcast_in_dim3A_18, %gather3A_12 : vector<16xi1>, vector<16xi32>
    %and3A_19 = arith.constant -8 : i32
    %and3A_20 = vector.broadcast %and3A_19 : i32 to vector<16xi32>
    %and3A_21 = arith.andi %gather3A, %and3A_20 : vector<16xi32>
    %reduce_max3A = arith.constant true
    %reduce_max3A_22 = vector.broadcast %reduce_max3A : i1 to vector<16xi1>
    %reduce_max3A_23 = arith.constant -2147483648 : i32
    %reduce_max3A_24 = vector.broadcast %reduce_max3A_23 : i32 to vector<16xi32>
    %reduce_max3A_25 = arith.xori %and3A_21, %reduce_max3A_24 : vector<16xi32>
    %reduce_max3A_26 = tpu.scan <max>, %reduce_max3A_25 masked %reduce_max3A_22 : vector<16xi32>, vector<16xi1> -> vector<16xi32>
    %reduce_max3A_27 = arith.xori %reduce_max3A_26, %reduce_max3A_24 : vector<16xi32>
    %reduce_max3A_28 = vector.extract %reduce_max3A_27[15] : i32 from vector<16xi32>
    %reduce_max3A_29 = arith.constant true
    %reduce_max3A_30 = vector.broadcast %reduce_max3A_29 : i1 to vector<16xi1>
    %reduce_max3A_31 = arith.constant -2147483648 : i32
    %reduce_max3A_32 = vector.broadcast %reduce_max3A_31 : i32 to vector<16xi32>
    %reduce_max3A_33 = arith.xori %select_n3A, %reduce_max3A_32 : vector<16xi32>
    %reduce_max3A_34 = tpu.scan <max>, %reduce_max3A_33 masked %reduce_max3A_30 : vector<16xi32>, vector<16xi1> -> vector<16xi32>
    %reduce_max3A_35 = arith.xori %reduce_max3A_34, %reduce_max3A_32 : vector<16xi32>
    %reduce_max3A_36 = vector.extract %reduce_max3A_35[15] : i32 from vector<16xi32>
    %sub3A_37 = arith.subi %reduce_max3A_36, %reduce_max3A_28 : i32
    %add3A_38 = arith.constant 4095 : i32
    %add3A_39 = arith.addi %sub3A_37, %add3A_38 : i32
    %jit3A_40 = arith.constant 4096 : i32
    %div3A = arith.divsi %add3A_39, %jit3A_40 : i32
    %sign3A = arith.constant 0 : i32
    %sign3A_41 = arith.cmpi sgt, %add3A_39, %sign3A : i32
    %sign3A_42 = arith.extui %sign3A_41 : i1 to i32
    %sign3A_43 = arith.constant 0 : i32
    %sign3A_44 = arith.cmpi slt, %add3A_39, %sign3A_43 : i32
    %sign3A_45 = arith.extui %sign3A_44 : i1 to i32
    %sign3A_46 = arith.subi %sign3A_42, %sign3A_45 : i32
    %sign3A_47 = arith.constant 0 : i32
    %sign3A_48 = arith.cmpi sgt, %jit3A_40, %sign3A_47 : i32
    %sign3A_49 = arith.extui %sign3A_48 : i1 to i32
    %sign3A_50 = arith.constant 0 : i32
    %sign3A_51 = arith.cmpi slt, %jit3A_40, %sign3A_50 : i32
    %sign3A_52 = arith.extui %sign3A_51 : i1 to i32
    %sign3A_53 = arith.subi %sign3A_49, %sign3A_52 : i32
    %ne3A = arith.cmpi ne, %sign3A_46, %sign3A_53 : i32
    %rem3A = arith.remsi %add3A_39, %jit3A_40 : i32
    %ne3A_54 = arith.constant 0 : i32
    %ne3A_55 = arith.cmpi ne, %rem3A, %ne3A_54 : i32
    %and3A_56 = arith.andi %ne3A, %ne3A_55 : i1
    %sub3A_57 = arith.constant 1 : i32
    %sub3A_58 = arith.subi %div3A, %sub3A_57 : i32
    %select_n3A_59 = arith.select %and3A_56, %sub3A_58, %div3A : i32
    %add3A_60 = arith.constant 0 : i32
    %add3A_61 = arith.addi %reduce_max3A_28, %add3A_60 : i32
    %min3A_62 = arith.constant 1595904 : i32
    %min3A_63 = arith.minsi %add3A_61, %min3A_62 : i32
    %multiple_of3A_64 = tpu.assume_multiple %min3A_63, 8 : i32
    %multiple_of3A_65 = arith.constant 0 : i32
    %multiple_of3A_66 = tpu.assume_multiple %multiple_of3A_65, 8 : i32
    %dma_start3A = arith.constant 0 : i32
    %dma_start3A_67 = tpu.memref_slice %arg10[%multiple_of3A_66] : memref<8192xi32, #tpu.memory_space<vmem>> -> memref<4096xi32, #tpu.memory_space<vmem>>
    %dma_start3A_68 = tpu.memref_slice %arg3[%multiple_of3A_64] : memref<1600000xi32, #tpu.memory_space<hbm>> -> memref<4096xi32, #tpu.memory_space<hbm>>
    %dma_start3A_69 = tpu.memref_slice %arg14[%dma_start3A] : memref<2x!tpu.dma_semaphore, #tpu.memory_space<semaphore_mem>> -> memref<1x!tpu.dma_semaphore, #tpu.memory_space<semaphore_mem>>
    %dma_start3A_70 = tpu.memref_squeeze %dma_start3A_69 : memref<1x!tpu.dma_semaphore, #tpu.memory_space<semaphore_mem>> -> memref<!tpu.dma_semaphore, #tpu.memory_space<semaphore_mem>>
    %dma_start3A_71 = tpu.memref_slice %arg10[%multiple_of3A_66] : memref<8192xi32, #tpu.memory_space<vmem>> -> memref<4096xi32, #tpu.memory_space<vmem>>
    %dma_start3A_72 = tpu.memref_slice %arg3[%multiple_of3A_64] : memref<1600000xi32, #tpu.memory_space<hbm>> -> memref<4096xi32, #tpu.memory_space<hbm>>
    tpu.enqueue_dma source(%dma_start3A_72 : memref<4096xi32, #tpu.memory_space<hbm>>) target(%dma_start3A_71 : memref<4096xi32, #tpu.memory_space<vmem>>) target_semaphore(%dma_start3A_70 : memref<!tpu.dma_semaphore, #tpu.memory_space<semaphore_mem>>)
    %broadcast_in_dim3A_73 = arith.constant 0 : i32
    %broadcast_in_dim3A_74 = vector.broadcast %broadcast_in_dim3A_73 : i32 to vector<16xi32>
    %scan3A = arith.constant 0 : i32
    %scan3A_75 = arith.constant 197 : i32
    %scan3A_76 = arith.addi %scan3A, %scan3A_75 : i32
    %scan3A_77 = arith.constant 1 : i32
    %scan3A_78 = scf.for %scan3A_114 = %scan3A to %scan3A_76 step %scan3A_77 iter_args(%scan3A_115 = %broadcast_in_dim3A_74) -> (vector<16xi32>)  : i32 {
      %mul3A_116 = arith.constant 16 : i32
      %mul3A_117 = arith.muli %scan3A_114, %mul3A_116 : i32
      %add3A_118 = vector.broadcast %mul3A_117 : i32 to vector<16xi32>
      %add3A_119 = arith.addi %add3A_118, %iota3A : vector<16xi32>
      %add3A_120 = arith.addi %broadcast_in_dim3A, %add3A_119 : vector<16xi32>
      %min3A_121 = arith.constant 3151 : i32
      %min3A_122 = vector.broadcast %min3A_121 : i32 to vector<16xi32>
      %min3A_123 = arith.minsi %add3A_120, %min3A_122 : vector<16xi32>
      %gather3A_124 = tpu.vector_load_idx %arg7[%min3A_123] : memref<3152xi32, #tpu.memory_space<vmem>>[vector<16xi32>], vector<16xi32>,
      %add3A_125 = arith.constant 1 : i32
      %add3A_126 = vector.broadcast %add3A_125 : i32 to vector<16xi32>
      %add3A_127 = arith.addi %add3A_120, %add3A_126 : vector<16xi32>
      %min3A_128 = arith.constant 3151 : i32
      %min3A_129 = vector.broadcast %min3A_128 : i32 to vector<16xi32>
      %min3A_130 = arith.minsi %add3A_127, %min3A_129 : vector<16xi32>
      %gather3A_131 = tpu.vector_load_idx %arg7[%min3A_130] : memref<3152xi32, #tpu.memory_space<vmem>>[vector<16xi32>], vector<16xi32>,
      %add3A_132 = arith.addi %broadcast_in_dim3A_5, %add3A_119 : vector<16xi32>
      %ge3A_133 = arith.constant 99999 : i32
      %ge3A_134 = vector.broadcast %ge3A_133 : i32 to vector<16xi32>
      %ge3A_135 = arith.cmpi sge, %add3A_132, %ge3A_134 : vector<16xi32>
      %jit3A_136 = arith.constant 1600000 : i32
      %broadcast_in_dim3A_137 = vector.broadcast %jit3A_136 : i32 to vector<16xi32>
      %select_n3A_138 = arith.select %ge3A_135, %broadcast_in_dim3A_137, %gather3A_131 : vector<16xi1>, vector<16xi32>
      %lt3A = arith.constant 3125 : i32
      %lt3A_139 = vector.broadcast %lt3A : i32 to vector<16xi32>
      %lt3A_140 = arith.cmpi slt, %add3A_119, %lt3A_139 : vector<16xi32>
      %gt3A = arith.cmpi sgt, %select_n3A_138, %gather3A_124 : vector<16xi32>
      %and3A_141 = arith.andi %lt3A_140, %gt3A : vector<16xi1>
      %convert_element_type3A = arith.extui %and3A_141 : vector<16xi1> to vector<16xi32>
      %broadcast_in_dim3A_142 = arith.constant true
      %broadcast_in_dim3A_143 = vector.broadcast %broadcast_in_dim3A_142 : i1 to vector<16xi1>
      %masked_cumsum3A = tpu.scan <sum>, %convert_element_type3A masked %broadcast_in_dim3A_143 : vector<16xi32>, vector<16xi1> -> vector<16xi32>
      %add3A_144 = arith.addi %scan3A_115, %masked_cumsum3A : vector<16xi32>
      %sub3A_145 = arith.constant 1 : i32
      %sub3A_146 = vector.broadcast %sub3A_145 : i32 to vector<16xi32>
      %sub3A_147 = arith.subi %add3A_144, %sub3A_146 : vector<16xi32>
      tpu.vector_store_idx %arg8[%sub3A_147], %gather3A_124 masked %and3A_141 : memref<3152xi32, #tpu.memory_space<vmem>>[vector<16xi32>], vector<16xi32>, vector<16xi1>
      %add3A_148 = arith.addi %broadcast_in_dim3A_5, %add3A_119 : vector<16xi32>
      tpu.vector_store_idx %arg9[%sub3A_147], %add3A_148 masked %and3A_141 : memref<3152xi32, #tpu.memory_space<vmem>>[vector<16xi32>], vector<16xi32>, vector<16xi1>
      %all_reduce_population_count3A = tpu.all_reduce %and3A_141 {dim = 0 : i64, kind = #tpu.reduction_kind<sum>} : vector<16xi1> -> vector<16xi32>
      %add3A_149 = arith.addi %scan3A_115, %all_reduce_population_count3A : vector<16xi32>
      scf.yield %add3A_149 : vector<16xi32>
    }
    %scan3A_79 = arith.constant 197 : i32
    %add3A_80 = arith.addi %scan3A_78, %iota3A : vector<16xi32>
    %broadcast_in_dim3A_81 = arith.constant 2147483647 : i32
    %broadcast_in_dim3A_82 = vector.broadcast %broadcast_in_dim3A_81 : i32 to vector<16xi32>
    tpu.vector_store_idx %arg8[%add3A_80], %broadcast_in_dim3A_82 : memref<3152xi32, #tpu.memory_space<vmem>>[vector<16xi32>], vector<16xi32>,
    tpu.wait_dma2 semaphore(%arg13 : memref<!tpu.dma_semaphore, #tpu.memory_space<semaphore_mem>>) src(%arg2 : memref<100000xf32, #tpu.memory_space<hbm>>) dst(%arg6 : memref<100000xf32, #tpu.memory_space<vmem>>)
    %broadcast_in_dim3A_83 = arith.constant 0 : i32
    %broadcast_in_dim3A_84 = vector.broadcast %broadcast_in_dim3A_83 : i32 to vector<16xi32>
    %broadcast_in_dim3A_85 = arith.constant 0 : i32
    %broadcast_in_dim3A_86 = vector.broadcast %broadcast_in_dim3A_85 : i32 to vector<16xi32>
    %broadcast_in_dim3A_87 = arith.constant 0.000000e+00 : f32
    %broadcast_in_dim3A_88 = vector.broadcast %broadcast_in_dim3A_87 : f32 to vector<16xf32>
    %while3A = arith.constant 0 : i32
    %while3A_89 = arith.subi %select_n3A_59, %while3A : i32
    %while3A_90 = arith.addi %while3A, %while3A_89 : i32
    %while3A_91 = arith.constant 1 : i32
    %while3A_92 = arith.divsi %while3A_89, %while3A_91 : i32
    %while3A_93 = arith.muli %while3A_92, %while3A_91 : i32
    %while3A_94 = arith.addi %while3A, %while3A_93 : i32
    %while3A_95 = arith.constant 1 : i32
    %while3A_96:2 = scf.for %while3A_114 = %while3A to %while3A_94 step %while3A_95 iter_args(%while3A_115 = %broadcast_in_dim3A_86, %while3A_116 = %broadcast_in_dim3A_88) -> (vector<16xi32>, vector<16xf32>)  : i32 {
      %and3A_117 = arith.constant 1 : i32
      %and3A_118 = arith.andi %while3A_114, %and3A_117 : i32
      %add3A_119 = arith.constant 1 : i32
      %add3A_120 = arith.addi %while3A_114, %add3A_119 : i32
      %add3A_121 = arith.constant 1 : i32
      %add3A_122 = arith.addi %while3A_114, %add3A_121 : i32
      %and3A_123 = arith.constant 1 : i32
      %and3A_124 = arith.andi %add3A_122, %and3A_123 : i32
      %mul3A_125 = arith.constant 4096 : i32
      %mul3A_126 = arith.muli %add3A_120, %mul3A_125 : i32
      %add3A_127 = arith.addi %reduce_max3A_28, %mul3A_126 : i32
      %min3A_128 = arith.constant 1595904 : i32
      %min3A_129 = arith.minsi %add3A_127, %min3A_128 : i32
      %multiple_of3A_130 = tpu.assume_multiple %min3A_129, 8 : i32
      %mul3A_131 = arith.constant 4096 : i32
      %mul3A_132 = arith.muli %and3A_124, %mul3A_131 : i32
      %multiple_of3A_133 = tpu.assume_multiple %mul3A_132, 8 : i32
      %dma_start3A_134 = tpu.memref_slice %arg10[%multiple_of3A_133] : memref<8192xi32, #tpu.memory_space<vmem>> -> memref<4096xi32, #tpu.memory_space<vmem>>
      %dma_start3A_135 = tpu.memref_slice %arg3[%multiple_of3A_130] : memref<1600000xi32, #tpu.memory_space<hbm>> -> memref<4096xi32, #tpu.memory_space<hbm>>
      %dma_start3A_136 = tpu.memref_slice %arg14[%and3A_124] : memref<2x!tpu.dma_semaphore, #tpu.memory_space<semaphore_mem>> -> memref<1x!tpu.dma_semaphore, #tpu.memory_space<semaphore_mem>>
      %dma_start3A_137 = tpu.memref_squeeze %dma_start3A_136 : memref<1x!tpu.dma_semaphore, #tpu.memory_space<semaphore_mem>> -> memref<!tpu.dma_semaphore, #tpu.memory_space<semaphore_mem>>
      %dma_start3A_138 = tpu.memref_slice %arg10[%multiple_of3A_133] : memref<8192xi32, #tpu.memory_space<vmem>> -> memref<4096xi32, #tpu.memory_space<vmem>>
      %dma_start3A_139 = tpu.memref_slice %arg3[%multiple_of3A_130] : memref<1600000xi32, #tpu.memory_space<hbm>> -> memref<4096xi32, #tpu.memory_space<hbm>>
      tpu.enqueue_dma source(%dma_start3A_139 : memref<4096xi32, #tpu.memory_space<hbm>>) target(%dma_start3A_138 : memref<4096xi32, #tpu.memory_space<vmem>>) target_semaphore(%dma_start3A_137 : memref<!tpu.dma_semaphore, #tpu.memory_space<semaphore_mem>>)
      %mul3A_140 = arith.constant 4096 : i32
      %mul3A_141 = arith.muli %and3A_118, %mul3A_140 : i32
      %multiple_of3A_142 = tpu.assume_multiple %mul3A_141, 8 : i32
      %dma_wait3A_143 = tpu.memref_slice %arg10[%multiple_of3A_142] : memref<8192xi32, #tpu.memory_space<vmem>> -> memref<4096xi32, #tpu.memory_space<vmem>>
      %dma_wait3A_144 = arith.constant 0 : i32
      %dma_wait3A_145 = tpu.memref_slice %arg3[%dma_wait3A_144] : memref<1600000xi32, #tpu.memory_space<hbm>> -> memref<4096xi32, #tpu.memory_space<hbm>>
      %dma_wait3A_146 = tpu.memref_slice %arg14[%and3A_118] : memref<2x!tpu.dma_semaphore, #tpu.memory_space<semaphore_mem>> -> memref<1x!tpu.dma_semaphore, #tpu.memory_space<semaphore_mem>>
      %dma_wait3A_147 = tpu.memref_squeeze %dma_wait3A_146 : memref<1x!tpu.dma_semaphore, #tpu.memory_space<semaphore_mem>> -> memref<!tpu.dma_semaphore, #tpu.memory_space<semaphore_mem>>
      %dma_wait3A_148 = tpu.memref_slice %arg10[%multiple_of3A_142] : memref<8192xi32, #tpu.memory_space<vmem>> -> memref<4096xi32, #tpu.memory_space<vmem>>
      %dma_wait3A_149 = arith.constant 0 : i32
      %dma_wait3A_150 = tpu.memref_slice %arg3[%dma_wait3A_149] : memref<1600000xi32, #tpu.memory_space<hbm>> -> memref<4096xi32, #tpu.memory_space<hbm>>
      tpu.wait_dma2 semaphore(%dma_wait3A_147 : memref<!tpu.dma_semaphore, #tpu.memory_space<semaphore_mem>>) src(%dma_wait3A_150 : memref<4096xi32, #tpu.memory_space<hbm>>) dst(%dma_wait3A_148 : memref<4096xi32, #tpu.memory_space<vmem>>)
      %mul3A_151 = arith.constant 4096 : i32
      %mul3A_152 = arith.muli %while3A_114, %mul3A_151 : i32
      %add3A_153 = arith.addi %reduce_max3A_28, %mul3A_152 : i32
      %min3A_154 = arith.constant 1595904 : i32
      %min3A_155 = arith.minsi %add3A_153, %min3A_154 : i32
      %sub3A_156 = arith.subi %add3A_153, %min3A_155 : i32
      %mul3A_157 = arith.constant 4096 : i32
      %mul3A_158 = arith.muli %while3A_114, %mul3A_157 : i32
      %add3A_159 = vector.broadcast %mul3A_158 : i32 to vector<16xi32>
      %add3A_160 = arith.addi %and3A_21, %add3A_159 : vector<16xi32>
      %sub3A_161 = arith.subi %reduce_max3A_36, %add3A_153 : i32
      %add3A_162 = arith.constant 15 : i32
      %add3A_163 = arith.addi %sub3A_161, %add3A_162 : i32
      %jit3A_164 = arith.constant 16 : i32
      %div3A_165 = arith.divsi %add3A_163, %jit3A_164 : i32
      %sign3A_166 = arith.constant 0 : i32
      %sign3A_167 = arith.cmpi sgt, %add3A_163, %sign3A_166 : i32
      %sign3A_168 = arith.extui %sign3A_167 : i1 to i32
      %sign3A_169 = arith.constant 0 : i32
      %sign3A_170 = arith.cmpi slt, %add3A_163, %sign3A_169 : i32
      %sign3A_171 = arith.extui %sign3A_170 : i1 to i32
      %sign3A_172 = arith.subi %sign3A_168, %sign3A_171 : i32
      %sign3A_173 = arith.constant 0 : i32
      %sign3A_174 = arith.cmpi sgt, %jit3A_164, %sign3A_173 : i32
      %sign3A_175 = arith.extui %sign3A_174 : i1 to i32
      %sign3A_176 = arith.constant 0 : i32
      %sign3A_177 = arith.cmpi slt, %jit3A_164, %sign3A_176 : i32
      %sign3A_178 = arith.extui %sign3A_177 : i1 to i32
      %sign3A_179 = arith.subi %sign3A_175, %sign3A_178 : i32
      %ne3A_180 = arith.cmpi ne, %sign3A_172, %sign3A_179 : i32
      %rem3A_181 = arith.remsi %add3A_163, %jit3A_164 : i32
      %ne3A_182 = arith.constant 0 : i32
      %ne3A_183 = arith.cmpi ne, %rem3A_181, %ne3A_182 : i32
      %and3A_184 = arith.andi %ne3A_180, %ne3A_183 : i1
      %sub3A_185 = arith.constant 1 : i32
      %sub3A_186 = arith.subi %div3A_165, %sub3A_185 : i32
      %select_n3A_187 = arith.select %and3A_184, %sub3A_186, %div3A_165 : i32
      %max3A = arith.constant 0 : i32
      %max3A_188 = arith.maxsi %max3A, %select_n3A_187 : i32
      %min3A_189 = arith.constant 256 : i32
      %min3A_190 = arith.minsi %min3A_189, %max3A_188 : i32
      %add3A_191 = arith.constant 3 : i32
      %add3A_192 = arith.addi %min3A_190, %add3A_191 : i32
      %jit3A_193 = arith.constant 4 : i32
      %div3A_194 = arith.divsi %add3A_192, %jit3A_193 : i32
      %sign3A_195 = arith.constant 0 : i32
      %sign3A_196 = arith.cmpi sgt, %add3A_192, %sign3A_195 : i32
      %sign3A_197 = arith.extui %sign3A_196 : i1 to i32
      %sign3A_198 = arith.constant 0 : i32
      %sign3A_199 = arith.cmpi slt, %add3A_192, %sign3A_198 : i32
      %sign3A_200 = arith.extui %sign3A_199 : i1 to i32
      %sign3A_201 = arith.subi %sign3A_197, %sign3A_200 : i32
      %sign3A_202 = arith.constant 0 : i32
      %sign3A_203 = arith.cmpi sgt, %jit3A_193, %sign3A_202 : i32
      %sign3A_204 = arith.extui %sign3A_203 : i1 to i32
      %sign3A_205 = arith.constant 0 : i32
      %sign3A_206 = arith.cmpi slt, %jit3A_193, %sign3A_205 : i32
      %sign3A_207 = arith.extui %sign3A_206 : i1 to i32
      %sign3A_208 = arith.subi %sign3A_204, %sign3A_207 : i32
      %ne3A_209 = arith.cmpi ne, %sign3A_201, %sign3A_208 : i32
      %rem3A_210 = arith.remsi %add3A_192, %jit3A_193 : i32
      %ne3A_211 = arith.constant 0 : i32
      %ne3A_212 = arith.cmpi ne, %rem3A_210, %ne3A_211 : i32
      %and3A_213 = arith.andi %ne3A_209, %ne3A_212 : i1
      %sub3A_214 = arith.constant 1 : i32
      %sub3A_215 = arith.subi %div3A_194, %sub3A_214 : i32
      %select_n3A_216 = arith.select %and3A_213, %sub3A_215, %div3A_194 : i32
      %mul3A_217 = arith.constant 4096 : i32
      %mul3A_218 = arith.muli %and3A_118, %mul3A_217 : i32
      %add3A_219 = arith.constant 4095 : i32
      %add3A_220 = arith.addi %mul3A_218, %add3A_219 : i32
      %mul3A_221 = arith.constant 4096 : i32
      %mul3A_222 = arith.muli %and3A_118, %mul3A_221 : i32
      %add3A_223 = arith.addi %mul3A_222, %sub3A_156 : i32
      %while3A_224 = arith.constant 0 : i32
      %while3A_225 = arith.subi %select_n3A_216, %while3A_224 : i32
      %while3A_226 = arith.addi %while3A_224, %while3A_225 : i32
      %while3A_227 = arith.constant 1 : i32
      %while3A_228 = arith.divsi %while3A_225, %while3A_227 : i32
      %while3A_229 = arith.muli %while3A_228, %while3A_227 : i32
      %while3A_230 = arith.addi %while3A_224, %while3A_229 : i32
      %while3A_231 = arith.constant 1 : i32
      %while3A_232:2 = scf.for %while3A_235 = %while3A_224 to %while3A_230 step %while3A_231 iter_args(%while3A_236 = %while3A_115, %while3A_237 = %while3A_116) -> (vector<16xi32>, vector<16xf32>)  : i32 {
        %mul3A_238 = arith.constant 64 : i32
        %mul3A_239 = arith.muli %while3A_235, %mul3A_238 : i32
        %add3A_240 = arith.constant 0 : i32
        %add3A_241 = arith.addi %mul3A_239, %add3A_240 : i32
        %add3A_242 = vector.broadcast %add3A_241 : i32 to vector<16xi32>
        %add3A_243 = arith.addi %add3A_160, %add3A_242 : vector<16xi32>
        %add3A_244 = arith.addi %add3A_243, %iota3A : vector<16xi32>
        %add3A_245 = arith.addi %add3A_223, %add3A_241 : i32
        %add3A_246 = vector.broadcast %add3A_245 : i32 to vector<16xi32>
        %add3A_247 = arith.addi %add3A_246, %iota3A : vector<16xi32>
        %min3A_248 = vector.broadcast %add3A_220 : i32 to vector<16xi32>
        %min3A_249 = arith.minsi %add3A_247, %min3A_248 : vector<16xi32>
        %gather3A_250 = tpu.vector_load_idx %arg10[%min3A_249] : memref<8192xi32, #tpu.memory_space<vmem>>[vector<16xi32>], vector<16xi32>,
        %add3A_251 = arith.addi %while3A_236, %iota3A : vector<16xi32>
        %gather3A_252 = tpu.vector_load_idx %arg8[%add3A_251] : memref<3152xi32, #tpu.memory_space<vmem>>[vector<16xi32>], vector<16xi32>,
        %gather3A_253 = tpu.vector_load_idx %arg9[%add3A_251] : memref<3152xi32, #tpu.memory_space<vmem>>[vector<16xi32>], vector<16xi32>,
        %sub3A_254 = arith.subi %gather3A_252, %add3A_243 : vector<16xi32>
        %bitcast3A = vector.bitcast %sub3A_254 : vector<16xi32> to vector<16xi32>
        %lt3A = arith.constant 16 : i32
        %lt3A_255 = vector.broadcast %lt3A : i32 to vector<16xi32>
        %lt3A_256 = arith.cmpi ult, %bitcast3A, %lt3A_255 : vector<16xi32>
        %swap3A_257 = arith.constant 0 : index
        %swap3A_258 = tpu.vector_load %arg11[%swap3A_257] {strides = array<i32>} : memref<64xi32, #tpu.memory_space<vmem>>, vector<16xi32>,
        tpu.vector_store %arg11[%swap3A_257], %broadcast_in_dim3A_84 {strides = array<i32>} : memref<64xi32, #tpu.memory_space<vmem>>, vector<16xi32>,
        %scatter3A = arith.constant 0 : i32
        %scatter3A_259 = tpu.memref_slice %arg11[%scatter3A] : memref<64xi32, #tpu.memory_space<vmem>> -> memref<16xi32, #tpu.memory_space<vmem>>
        tpu.vector_store_idx %scatter3A_259[%sub3A_254], %gather3A_253 masked %lt3A_256 : memref<16xi32, #tpu.memory_space<vmem>>[vector<16xi32>], vector<16xi32>, vector<16xi1>
        %sub3A_260 = arith.constant 1 : i32
        %sub3A_261 = vector.broadcast %sub3A_260 : i32 to vector<16xi32>
        %sub3A_262 = arith.subi %while3A_236, %sub3A_261 : vector<16xi32>
        %max3A_263 = arith.constant 0 : i32
        %max3A_264 = vector.broadcast %max3A_263 : i32 to vector<16xi32>
        %max3A_265 = arith.maxsi %sub3A_262, %max3A_264 : vector<16xi32>
        %gather3A_266 = tpu.vector_load_idx %arg9[%max3A_265] : memref<3152xi32, #tpu.memory_space<vmem>>[vector<16xi32>], vector<16xi32>,
        %get3A = arith.constant 0 : index
        %get3A_267 = tpu.vector_load %arg11[%get3A] {strides = array<i32>} : memref<64xi32, #tpu.memory_space<vmem>>, vector<16xi32>,
        %bitcast3A_268 = vector.bitcast %get3A_267 : vector<16xi32> to vector<16xi32>
        %broadcast_in_dim3A_269 = arith.constant true
        %broadcast_in_dim3A_270 = vector.broadcast %broadcast_in_dim3A_269 : i1 to vector<16xi1>
        %masked_cummax3A = tpu.scan <max>, %bitcast3A_268 masked %broadcast_in_dim3A_270 : vector<16xi32>, vector<16xi1> -> vector<16xi32>
        %bitcast3A_271 = vector.bitcast %gather3A_266 : vector<16xi32> to vector<16xi32>
        %max3A_272 = arith.maxui %masked_cummax3A, %bitcast3A_271 : vector<16xi32>
        %bitcast3A_273 = vector.bitcast %max3A_272 : vector<16xi32> to vector<16xi32>
        %gather3A_274 = tpu.vector_load_idx %arg6[%gather3A_250] : memref<100000xf32, #tpu.memory_space<vmem>>[vector<16xi32>], vector<16xf32>,
        %gather3A_275 = tpu.vector_load_idx %arg6[%bitcast3A_273] : memref<100000xf32, #tpu.memory_space<vmem>>[vector<16xi32>], vector<16xf32>,
        %sub3A_276 = arith.subf %gather3A_275, %gather3A_274 : vector<16xf32>
        %mul3A_277 = arith.mulf %sub3A_276, %sub3A_276 : vector<16xf32>
        %add3A_278 = arith.constant 9.99999997E-7 : f32
        %add3A_279 = vector.broadcast %add3A_278 : f32 to vector<16xf32>
        %add3A_280 = arith.addf %mul3A_277, %add3A_279 : vector<16xf32>
        %bitcast3A_281 = vector.bitcast %add3A_280 : vector<16xf32> to vector<16xi32>
        %shift_right_logical3A = arith.constant 1 : i32
        %shift_right_logical3A_282 = vector.broadcast %shift_right_logical3A : i32 to vector<16xi32>
        %shift_right_logical3A_283 = arith.shrui %bitcast3A_281, %shift_right_logical3A_282 : vector<16xi32>
        %sub3A_284 = arith.constant 1597463007 : i32
        %sub3A_285 = vector.broadcast %sub3A_284 : i32 to vector<16xi32>
        %sub3A_286 = arith.subi %sub3A_285, %shift_right_logical3A_283 : vector<16xi32>
        %bitcast3A_287 = vector.bitcast %sub3A_286 : vector<16xi32> to vector<16xf32>
        %mul3A_288 = arith.constant 5.000000e-01 : f32
        %mul3A_289 = vector.broadcast %mul3A_288 : f32 to vector<16xf32>
        %mul3A_290 = arith.mulf %mul3A_289, %add3A_280 : vector<16xf32>
        %mul3A_291 = arith.mulf %mul3A_290, %bitcast3A_287 : vector<16xf32>
        %mul3A_292 = arith.mulf %mul3A_291, %bitcast3A_287 : vector<16xf32>
        %sub3A_293 = arith.constant 1.500000e+00 : f32
        %sub3A_294 = vector.broadcast %sub3A_293 : f32 to vector<16xf32>
        %sub3A_295 = arith.subf %sub3A_294, %mul3A_292 : vector<16xf32>
        %mul3A_296 = arith.mulf %bitcast3A_287, %sub3A_295 : vector<16xf32>
        %mul3A_297 = arith.mulf %add3A_280, %mul3A_296 : vector<16xf32>
        %ge3A_298 = arith.cmpi sge, %add3A_244, %gather3A : vector<16xi32>
        %lt3A_299 = arith.cmpi slt, %add3A_244, %select_n3A : vector<16xi32>
        %and3A_300 = arith.andi %ge3A_298, %lt3A_299 : vector<16xi1>
        %sub3A_301 = arith.constant 1.000000e-03 : f32
        %sub3A_302 = vector.broadcast %sub3A_301 : f32 to vector<16xf32>
        %sub3A_303 = arith.subf %mul3A_297, %sub3A_302 : vector<16xf32>
        %jit3A_304 = arith.constant 0.000000e+00 : f32
        %broadcast_in_dim3A_305 = vector.broadcast %jit3A_304 : f32 to vector<16xf32>
        %select_n3A_306 = arith.select %and3A_300, %sub3A_303, %broadcast_in_dim3A_305 : vector<16xi1>, vector<16xf32>
        %add3A_307 = arith.addf %while3A_237, %select_n3A_306 : vector<16xf32>
        %all_reduce_population_count3A = tpu.all_reduce %lt3A_256 {dim = 0 : i64, kind = #tpu.reduction_kind<sum>} : vector<16xi1> -> vector<16xi32>
        %add3A_308 = arith.addi %while3A_236, %all_reduce_population_count3A : vector<16xi32>
        %mul3A_309 = arith.constant 64 : i32
        %mul3A_310 = arith.muli %while3A_235, %mul3A_309 : i32
        %add3A_311 = arith.constant 16 : i32
        %add3A_312 = arith.addi %mul3A_310, %add3A_311 : i32
        %add3A_313 = vector.broadcast %add3A_312 : i32 to vector<16xi32>
        %add3A_314 = arith.addi %add3A_160, %add3A_313 : vector<16xi32>
        %add3A_315 = arith.addi %add3A_314, %iota3A : vector<16xi32>
        %add3A_316 = arith.addi %add3A_223, %add3A_312 : i32
        %add3A_317 = vector.broadcast %add3A_316 : i32 to vector<16xi32>
        %add3A_318 = arith.addi %add3A_317, %iota3A : vector<16xi32>
        %min3A_319 = vector.broadcast %add3A_220 : i32 to vector<16xi32>
        %min3A_320 = arith.minsi %add3A_318, %min3A_319 : vector<16xi32>
        %gather3A_321 = tpu.vector_load_idx %arg10[%min3A_320] : memref<8192xi32, #tpu.memory_space<vmem>>[vector<16xi32>], vector<16xi32>,
        %add3A_322 = arith.addi %add3A_308, %iota3A : vector<16xi32>
        %gather3A_323 = tpu.vector_load_idx %arg8[%add3A_322] : memref<3152xi32, #tpu.memory_space<vmem>>[vector<16xi32>], vector<16xi32>,
        %gather3A_324 = tpu.vector_load_idx %arg9[%add3A_322] : memref<3152xi32, #tpu.memory_space<vmem>>[vector<16xi32>], vector<16xi32>,
        %sub3A_325 = arith.subi %gather3A_323, %add3A_314 : vector<16xi32>
        %bitcast3A_326 = vector.bitcast %sub3A_325 : vector<16xi32> to vector<16xi32>
        %lt3A_327 = arith.constant 16 : i32
        %lt3A_328 = vector.broadcast %lt3A_327 : i32 to vector<16xi32>
        %lt3A_329 = arith.cmpi ult, %bitcast3A_326, %lt3A_328 : vector<16xi32>
        %swap3A_330 = arith.constant 16 : index
        %swap3A_331 = tpu.vector_load %arg11[%swap3A_330] {strides = array<i32>} : memref<64xi32, #tpu.memory_space<vmem>>, vector<16xi32>,
        tpu.vector_store %arg11[%swap3A_330], %broadcast_in_dim3A_84 {strides = array<i32>} : memref<64xi32, #tpu.memory_space<vmem>>, vector<16xi32>,
        %scatter3A_332 = arith.constant 16 : i32
        %scatter3A_333 = tpu.memref_slice %arg11[%scatter3A_332] : memref<64xi32, #tpu.memory_space<vmem>> -> memref<16xi32, #tpu.memory_space<vmem>>
        tpu.vector_store_idx %scatter3A_333[%sub3A_325], %gather3A_324 masked %lt3A_329 : memref<16xi32, #tpu.memory_space<vmem>>[vector<16xi32>], vector<16xi32>, vector<16xi1>
        %sub3A_334 = arith.constant 1 : i32
        %sub3A_335 = vector.broadcast %sub3A_334 : i32 to vector<16xi32>
        %sub3A_336 = arith.subi %add3A_308, %sub3A_335 : vector<16xi32>
        %max3A_337 = arith.constant 0 : i32
        %max3A_338 = vector.broadcast %max3A_337 : i32 to vector<16xi32>
        %max3A_339 = arith.maxsi %sub3A_336, %max3A_338 : vector<16xi32>
        %gather3A_340 = tpu.vector_load_idx %arg9[%max3A_339] : memref<3152xi32, #tpu.memory_space<vmem>>[vector<16xi32>], vector<16xi32>,
        %get3A_341 = arith.constant 16 : index
        %get3A_342 = tpu.vector_load %arg11[%get3A_341] {strides = array<i32>} : memref<64xi32, #tpu.memory_space<vmem>>, vector<16xi32>,
        %bitcast3A_343 = vector.bitcast %get3A_342 : vector<16xi32> to vector<16xi32>
        %broadcast_in_dim3A_344 = arith.constant true
        %broadcast_in_dim3A_345 = vector.broadcast %broadcast_in_dim3A_344 : i1 to vector<16xi1>
        %masked_cummax3A_346 = tpu.scan <max>, %bitcast3A_343 masked %broadcast_in_dim3A_345 : vector<16xi32>, vector<16xi1> -> vector<16xi32>
        %bitcast3A_347 = vector.bitcast %gather3A_340 : vector<16xi32> to vector<16xi32>
        %max3A_348 = arith.maxui %masked_cummax3A_346, %bitcast3A_347 : vector<16xi32>
        %bitcast3A_349 = vector.bitcast %max3A_348 : vector<16xi32> to vector<16xi32>
        %gather3A_350 = tpu.vector_load_idx %arg6[%gather3A_321] : memref<100000xf32, #tpu.memory_space<vmem>>[vector<16xi32>], vector<16xf32>,
        %gather3A_351 = tpu.vector_load_idx %arg6[%bitcast3A_349] : memref<100000xf32, #tpu.memory_space<vmem>>[vector<16xi32>], vector<16xf32>,
        %sub3A_352 = arith.subf %gather3A_351, %gather3A_350 : vector<16xf32>
        %mul3A_353 = arith.mulf %sub3A_352, %sub3A_352 : vector<16xf32>
        %add3A_354 = arith.constant 9.99999997E-7 : f32
        %add3A_355 = vector.broadcast %add3A_354 : f32 to vector<16xf32>
        %add3A_356 = arith.addf %mul3A_353, %add3A_355 : vector<16xf32>
        %bitcast3A_357 = vector.bitcast %add3A_356 : vector<16xf32> to vector<16xi32>
        %shift_right_logical3A_358 = arith.constant 1 : i32
        %shift_right_logical3A_359 = vector.broadcast %shift_right_logical3A_358 : i32 to vector<16xi32>
        %shift_right_logical3A_360 = arith.shrui %bitcast3A_357, %shift_right_logical3A_359 : vector<16xi32>
        %sub3A_361 = arith.constant 1597463007 : i32
        %sub3A_362 = vector.broadcast %sub3A_361 : i32 to vector<16xi32>
        %sub3A_363 = arith.subi %sub3A_362, %shift_right_logical3A_360 : vector<16xi32>
        %bitcast3A_364 = vector.bitcast %sub3A_363 : vector<16xi32> to vector<16xf32>
        %mul3A_365 = arith.constant 5.000000e-01 : f32
        %mul3A_366 = vector.broadcast %mul3A_365 : f32 to vector<16xf32>
        %mul3A_367 = arith.mulf %mul3A_366, %add3A_356 : vector<16xf32>
        %mul3A_368 = arith.mulf %mul3A_367, %bitcast3A_364 : vector<16xf32>
        %mul3A_369 = arith.mulf %mul3A_368, %bitcast3A_364 : vector<16xf32>
        %sub3A_370 = arith.constant 1.500000e+00 : f32
        %sub3A_371 = vector.broadcast %sub3A_370 : f32 to vector<16xf32>
        %sub3A_372 = arith.subf %sub3A_371, %mul3A_369 : vector<16xf32>
        %mul3A_373 = arith.mulf %bitcast3A_364, %sub3A_372 : vector<16xf32>
        %mul3A_374 = arith.mulf %add3A_356, %mul3A_373 : vector<16xf32>
        %ge3A_375 = arith.cmpi sge, %add3A_315, %gather3A : vector<16xi32>
        %lt3A_376 = arith.cmpi slt, %add3A_315, %select_n3A : vector<16xi32>
        %and3A_377 = arith.andi %ge3A_375, %lt3A_376 : vector<16xi1>
        %sub3A_378 = arith.constant 1.000000e-03 : f32
        %sub3A_379 = vector.broadcast %sub3A_378 : f32 to vector<16xf32>
        %sub3A_380 = arith.subf %mul3A_374, %sub3A_379 : vector<16xf32>
        %jit3A_381 = arith.constant 0.000000e+00 : f32
        %broadcast_in_dim3A_382 = vector.broadcast %jit3A_381 : f32 to vector<16xf32>
        %select_n3A_383 = arith.select %and3A_377, %sub3A_380, %broadcast_in_dim3A_382 : vector<16xi1>, vector<16xf32>
        %add3A_384 = arith.addf %add3A_307, %select_n3A_383 : vector<16xf32>
        %all_reduce_population_count3A_385 = tpu.all_reduce %lt3A_329 {dim = 0 : i64, kind = #tpu.reduction_kind<sum>} : vector<16xi1> -> vector<16xi32>
        %add3A_386 = arith.addi %add3A_308, %all_reduce_population_count3A_385 : vector<16xi32>
        %mul3A_387 = arith.constant 64 : i32
        %mul3A_388 = arith.muli %while3A_235, %mul3A_387 : i32
        %add3A_389 = arith.constant 32 : i32
        %add3A_390 = arith.addi %mul3A_388, %add3A_389 : i32
        %add3A_391 = vector.broadcast %add3A_390 : i32 to vector<16xi32>
        %add3A_392 = arith.addi %add3A_160, %add3A_391 : vector<16xi32>
        %add3A_393 = arith.addi %add3A_392, %iota3A : vector<16xi32>
        %add3A_394 = arith.addi %add3A_223, %add3A_390 : i32
        %add3A_395 = vector.broadcast %add3A_394 : i32 to vector<16xi32>
        %add3A_396 = arith.addi %add3A_395, %iota3A : vector<16xi32>
        %min3A_397 = vector.broadcast %add3A_220 : i32 to vector<16xi32>
        %min3A_398 = arith.minsi %add3A_396, %min3A_397 : vector<16xi32>
        %gather3A_399 = tpu.vector_load_idx %arg10[%min3A_398] : memref<8192xi32, #tpu.memory_space<vmem>>[vector<16xi32>], vector<16xi32>,
        %add3A_400 = arith.addi %add3A_386, %iota3A : vector<16xi32>
        %gather3A_401 = tpu.vector_load_idx %arg8[%add3A_400] : memref<3152xi32, #tpu.memory_space<vmem>>[vector<16xi32>], vector<16xi32>,
        %gather3A_402 = tpu.vector_load_idx %arg9[%add3A_400] : memref<3152xi32, #tpu.memory_space<vmem>>[vector<16xi32>], vector<16xi32>,
        %sub3A_403 = arith.subi %gather3A_401, %add3A_392 : vector<16xi32>
        %bitcast3A_404 = vector.bitcast %sub3A_403 : vector<16xi32> to vector<16xi32>
        %lt3A_405 = arith.constant 16 : i32
        %lt3A_406 = vector.broadcast %lt3A_405 : i32 to vector<16xi32>
        %lt3A_407 = arith.cmpi ult, %bitcast3A_404, %lt3A_406 : vector<16xi32>
        %swap3A_408 = arith.constant 32 : index
        %swap3A_409 = tpu.vector_load %arg11[%swap3A_408] {strides = array<i32>} : memref<64xi32, #tpu.memory_space<vmem>>, vector<16xi32>,
        tpu.vector_store %arg11[%swap3A_408], %broadcast_in_dim3A_84 {strides = array<i32>} : memref<64xi32, #tpu.memory_space<vmem>>, vector<16xi32>,
        %scatter3A_410 = arith.constant 32 : i32
        %scatter3A_411 = tpu.memref_slice %arg11[%scatter3A_410] : memref<64xi32, #tpu.memory_space<vmem>> -> memref<16xi32, #tpu.memory_space<vmem>>
        tpu.vector_store_idx %scatter3A_411[%sub3A_403], %gather3A_402 masked %lt3A_407 : memref<16xi32, #tpu.memory_space<vmem>>[vector<16xi32>], vector<16xi32>, vector<16xi1>
        %sub3A_412 = arith.constant 1 : i32
        %sub3A_413 = vector.broadcast %sub3A_412 : i32 to vector<16xi32>
        %sub3A_414 = arith.subi %add3A_386, %sub3A_413 : vector<16xi32>
        %max3A_415 = arith.constant 0 : i32
        %max3A_416 = vector.broadcast %max3A_415 : i32 to vector<16xi32>
        %max3A_417 = arith.maxsi %sub3A_414, %max3A_416 : vector<16xi32>
        %gather3A_418 = tpu.vector_load_idx %arg9[%max3A_417] : memref<3152xi32, #tpu.memory_space<vmem>>[vector<16xi32>], vector<16xi32>,
        %get3A_419 = arith.constant 32 : index
        %get3A_420 = tpu.vector_load %arg11[%get3A_419] {strides = array<i32>} : memref<64xi32, #tpu.memory_space<vmem>>, vector<16xi32>,
        %bitcast3A_421 = vector.bitcast %get3A_420 : vector<16xi32> to vector<16xi32>
        %broadcast_in_dim3A_422 = arith.constant true
        %broadcast_in_dim3A_423 = vector.broadcast %broadcast_in_dim3A_422 : i1 to vector<16xi1>
        %masked_cummax3A_424 = tpu.scan <max>, %bitcast3A_421 masked %broadcast_in_dim3A_423 : vector<16xi32>, vector<16xi1> -> vector<16xi32>
        %bitcast3A_425 = vector.bitcast %gather3A_418 : vector<16xi32> to vector<16xi32>
        %max3A_426 = arith.maxui %masked_cummax3A_424, %bitcast3A_425 : vector<16xi32>
        %bitcast3A_427 = vector.bitcast %max3A_426 : vector<16xi32> to vector<16xi32>
        %gather3A_428 = tpu.vector_load_idx %arg6[%gather3A_399] : memref<100000xf32, #tpu.memory_space<vmem>>[vector<16xi32>], vector<16xf32>,
        %gather3A_429 = tpu.vector_load_idx %arg6[%bitcast3A_427] : memref<100000xf32, #tpu.memory_space<vmem>>[vector<16xi32>], vector<16xf32>,
        %sub3A_430 = arith.subf %gather3A_429, %gather3A_428 : vector<16xf32>
        %mul3A_431 = arith.mulf %sub3A_430, %sub3A_430 : vector<16xf32>
        %add3A_432 = arith.constant 9.99999997E-7 : f32
        %add3A_433 = vector.broadcast %add3A_432 : f32 to vector<16xf32>
        %add3A_434 = arith.addf %mul3A_431, %add3A_433 : vector<16xf32>
        %bitcast3A_435 = vector.bitcast %add3A_434 : vector<16xf32> to vector<16xi32>
        %shift_right_logical3A_436 = arith.constant 1 : i32
        %shift_right_logical3A_437 = vector.broadcast %shift_right_logical3A_436 : i32 to vector<16xi32>
        %shift_right_logical3A_438 = arith.shrui %bitcast3A_435, %shift_right_logical3A_437 : vector<16xi32>
        %sub3A_439 = arith.constant 1597463007 : i32
        %sub3A_440 = vector.broadcast %sub3A_439 : i32 to vector<16xi32>
        %sub3A_441 = arith.subi %sub3A_440, %shift_right_logical3A_438 : vector<16xi32>
        %bitcast3A_442 = vector.bitcast %sub3A_441 : vector<16xi32> to vector<16xf32>
        %mul3A_443 = arith.constant 5.000000e-01 : f32
        %mul3A_444 = vector.broadcast %mul3A_443 : f32 to vector<16xf32>
        %mul3A_445 = arith.mulf %mul3A_444, %add3A_434 : vector<16xf32>
        %mul3A_446 = arith.mulf %mul3A_445, %bitcast3A_442 : vector<16xf32>
        %mul3A_447 = arith.mulf %mul3A_446, %bitcast3A_442 : vector<16xf32>
        %sub3A_448 = arith.constant 1.500000e+00 : f32
        %sub3A_449 = vector.broadcast %sub3A_448 : f32 to vector<16xf32>
        %sub3A_450 = arith.subf %sub3A_449, %mul3A_447 : vector<16xf32>
        %mul3A_451 = arith.mulf %bitcast3A_442, %sub3A_450 : vector<16xf32>
        %mul3A_452 = arith.mulf %add3A_434, %mul3A_451 : vector<16xf32>
        %ge3A_453 = arith.cmpi sge, %add3A_393, %gather3A : vector<16xi32>
        %lt3A_454 = arith.cmpi slt, %add3A_393, %select_n3A : vector<16xi32>
        %and3A_455 = arith.andi %ge3A_453, %lt3A_454 : vector<16xi1>
        %sub3A_456 = arith.constant 1.000000e-03 : f32
        %sub3A_457 = vector.broadcast %sub3A_456 : f32 to vector<16xf32>
        %sub3A_458 = arith.subf %mul3A_452, %sub3A_457 : vector<16xf32>
        %jit3A_459 = arith.constant 0.000000e+00 : f32
        %broadcast_in_dim3A_460 = vector.broadcast %jit3A_459 : f32 to vector<16xf32>
        %select_n3A_461 = arith.select %and3A_455, %sub3A_458, %broadcast_in_dim3A_460 : vector<16xi1>, vector<16xf32>
        %add3A_462 = arith.addf %add3A_384, %select_n3A_461 : vector<16xf32>
        %all_reduce_population_count3A_463 = tpu.all_reduce %lt3A_407 {dim = 0 : i64, kind = #tpu.reduction_kind<sum>} : vector<16xi1> -> vector<16xi32>
        %add3A_464 = arith.addi %add3A_386, %all_reduce_population_count3A_463 : vector<16xi32>
        %mul3A_465 = arith.constant 64 : i32
        %mul3A_466 = arith.muli %while3A_235, %mul3A_465 : i32
        %add3A_467 = arith.constant 48 : i32
        %add3A_468 = arith.addi %mul3A_466, %add3A_467 : i32
        %add3A_469 = vector.broadcast %add3A_468 : i32 to vector<16xi32>
        %add3A_470 = arith.addi %add3A_160, %add3A_469 : vector<16xi32>
        %add3A_471 = arith.addi %add3A_470, %iota3A : vector<16xi32>
        %add3A_472 = arith.addi %add3A_223, %add3A_468 : i32
        %add3A_473 = vector.broadcast %add3A_472 : i32 to vector<16xi32>
        %add3A_474 = arith.addi %add3A_473, %iota3A : vector<16xi32>
        %min3A_475 = vector.broadcast %add3A_220 : i32 to vector<16xi32>
        %min3A_476 = arith.minsi %add3A_474, %min3A_475 : vector<16xi32>
        %gather3A_477 = tpu.vector_load_idx %arg10[%min3A_476] : memref<8192xi32, #tpu.memory_space<vmem>>[vector<16xi32>], vector<16xi32>,
        %add3A_478 = arith.addi %add3A_464, %iota3A : vector<16xi32>
        %gather3A_479 = tpu.vector_load_idx %arg8[%add3A_478] : memref<3152xi32, #tpu.memory_space<vmem>>[vector<16xi32>], vector<16xi32>,
        %gather3A_480 = tpu.vector_load_idx %arg9[%add3A_478] : memref<3152xi32, #tpu.memory_space<vmem>>[vector<16xi32>], vector<16xi32>,
        %sub3A_481 = arith.subi %gather3A_479, %add3A_470 : vector<16xi32>
        %bitcast3A_482 = vector.bitcast %sub3A_481 : vector<16xi32> to vector<16xi32>
        %lt3A_483 = arith.constant 16 : i32
        %lt3A_484 = vector.broadcast %lt3A_483 : i32 to vector<16xi32>
        %lt3A_485 = arith.cmpi ult, %bitcast3A_482, %lt3A_484 : vector<16xi32>
        %swap3A_486 = arith.constant 48 : index
        %swap3A_487 = tpu.vector_load %arg11[%swap3A_486] {strides = array<i32>} : memref<64xi32, #tpu.memory_space<vmem>>, vector<16xi32>,
        tpu.vector_store %arg11[%swap3A_486], %broadcast_in_dim3A_84 {strides = array<i32>} : memref<64xi32, #tpu.memory_space<vmem>>, vector<16xi32>,
        %scatter3A_488 = arith.constant 48 : i32
        %scatter3A_489 = tpu.memref_slice %arg11[%scatter3A_488] : memref<64xi32, #tpu.memory_space<vmem>> -> memref<16xi32, #tpu.memory_space<vmem>>
        tpu.vector_store_idx %scatter3A_489[%sub3A_481], %gather3A_480 masked %lt3A_485 : memref<16xi32, #tpu.memory_space<vmem>>[vector<16xi32>], vector<16xi32>, vector<16xi1>
        %sub3A_490 = arith.constant 1 : i32
        %sub3A_491 = vector.broadcast %sub3A_490 : i32 to vector<16xi32>
        %sub3A_492 = arith.subi %add3A_464, %sub3A_491 : vector<16xi32>
        %max3A_493 = arith.constant 0 : i32
        %max3A_494 = vector.broadcast %max3A_493 : i32 to vector<16xi32>
        %max3A_495 = arith.maxsi %sub3A_492, %max3A_494 : vector<16xi32>
        %gather3A_496 = tpu.vector_load_idx %arg9[%max3A_495] : memref<3152xi32, #tpu.memory_space<vmem>>[vector<16xi32>], vector<16xi32>,
        %get3A_497 = arith.constant 48 : index
        %get3A_498 = tpu.vector_load %arg11[%get3A_497] {strides = array<i32>} : memref<64xi32, #tpu.memory_space<vmem>>, vector<16xi32>,
        %bitcast3A_499 = vector.bitcast %get3A_498 : vector<16xi32> to vector<16xi32>
        %broadcast_in_dim3A_500 = arith.constant true
        %broadcast_in_dim3A_501 = vector.broadcast %broadcast_in_dim3A_500 : i1 to vector<16xi1>
        %masked_cummax3A_502 = tpu.scan <max>, %bitcast3A_499 masked %broadcast_in_dim3A_501 : vector<16xi32>, vector<16xi1> -> vector<16xi32>
        %bitcast3A_503 = vector.bitcast %gather3A_496 : vector<16xi32> to vector<16xi32>
        %max3A_504 = arith.maxui %masked_cummax3A_502, %bitcast3A_503 : vector<16xi32>
        %bitcast3A_505 = vector.bitcast %max3A_504 : vector<16xi32> to vector<16xi32>
        %gather3A_506 = tpu.vector_load_idx %arg6[%gather3A_477] : memref<100000xf32, #tpu.memory_space<vmem>>[vector<16xi32>], vector<16xf32>,
        %gather3A_507 = tpu.vector_load_idx %arg6[%bitcast3A_505] : memref<100000xf32, #tpu.memory_space<vmem>>[vector<16xi32>], vector<16xf32>,
        %sub3A_508 = arith.subf %gather3A_507, %gather3A_506 : vector<16xf32>
        %mul3A_509 = arith.mulf %sub3A_508, %sub3A_508 : vector<16xf32>
        %add3A_510 = arith.constant 9.99999997E-7 : f32
        %add3A_511 = vector.broadcast %add3A_510 : f32 to vector<16xf32>
        %add3A_512 = arith.addf %mul3A_509, %add3A_511 : vector<16xf32>
        %bitcast3A_513 = vector.bitcast %add3A_512 : vector<16xf32> to vector<16xi32>
        %shift_right_logical3A_514 = arith.constant 1 : i32
        %shift_right_logical3A_515 = vector.broadcast %shift_right_logical3A_514 : i32 to vector<16xi32>
        %shift_right_logical3A_516 = arith.shrui %bitcast3A_513, %shift_right_logical3A_515 : vector<16xi32>
        %sub3A_517 = arith.constant 1597463007 : i32
        %sub3A_518 = vector.broadcast %sub3A_517 : i32 to vector<16xi32>
        %sub3A_519 = arith.subi %sub3A_518, %shift_right_logical3A_516 : vector<16xi32>
        %bitcast3A_520 = vector.bitcast %sub3A_519 : vector<16xi32> to vector<16xf32>
        %mul3A_521 = arith.constant 5.000000e-01 : f32
        %mul3A_522 = vector.broadcast %mul3A_521 : f32 to vector<16xf32>
        %mul3A_523 = arith.mulf %mul3A_522, %add3A_512 : vector<16xf32>
        %mul3A_524 = arith.mulf %mul3A_523, %bitcast3A_520 : vector<16xf32>
        %mul3A_525 = arith.mulf %mul3A_524, %bitcast3A_520 : vector<16xf32>
        %sub3A_526 = arith.constant 1.500000e+00 : f32
        %sub3A_527 = vector.broadcast %sub3A_526 : f32 to vector<16xf32>
        %sub3A_528 = arith.subf %sub3A_527, %mul3A_525 : vector<16xf32>
        %mul3A_529 = arith.mulf %bitcast3A_520, %sub3A_528 : vector<16xf32>
        %mul3A_530 = arith.mulf %add3A_512, %mul3A_529 : vector<16xf32>
        %ge3A_531 = arith.cmpi sge, %add3A_471, %gather3A : vector<16xi32>
        %lt3A_532 = arith.cmpi slt, %add3A_471, %select_n3A : vector<16xi32>
        %and3A_533 = arith.andi %ge3A_531, %lt3A_532 : vector<16xi1>
        %sub3A_534 = arith.constant 1.000000e-03 : f32
        %sub3A_535 = vector.broadcast %sub3A_534 : f32 to vector<16xf32>
        %sub3A_536 = arith.subf %mul3A_530, %sub3A_535 : vector<16xf32>
        %jit3A_537 = arith.constant 0.000000e+00 : f32
        %broadcast_in_dim3A_538 = vector.broadcast %jit3A_537 : f32 to vector<16xf32>
        %select_n3A_539 = arith.select %and3A_533, %sub3A_536, %broadcast_in_dim3A_538 : vector<16xi1>, vector<16xf32>
        %add3A_540 = arith.addf %add3A_462, %select_n3A_539 : vector<16xf32>
        %all_reduce_population_count3A_541 = tpu.all_reduce %lt3A_485 {dim = 0 : i64, kind = #tpu.reduction_kind<sum>} : vector<16xi1> -> vector<16xi32>
        %add3A_542 = arith.addi %add3A_464, %all_reduce_population_count3A_541 : vector<16xi32>
        scf.yield %add3A_542, %add3A_540 : vector<16xi32>, vector<16xf32>
      }
      %while3A_233 = arith.constant 1 : i32
      %while3A_234:2 = scf.for %while3A_235 = %while3A_230 to %while3A_226 step %while3A_233 iter_args(%while3A_236 = %while3A_232#0, %while3A_237 = %while3A_232#1) -> (vector<16xi32>, vector<16xf32>)  : i32 {
        %mul3A_238 = arith.constant 64 : i32
        %mul3A_239 = arith.muli %while3A_235, %mul3A_238 : i32
        %add3A_240 = arith.constant 0 : i32
        %add3A_241 = arith.addi %mul3A_239, %add3A_240 : i32
        %add3A_242 = vector.broadcast %add3A_241 : i32 to vector<16xi32>
        %add3A_243 = arith.addi %add3A_160, %add3A_242 : vector<16xi32>
        %add3A_244 = arith.addi %add3A_243, %iota3A : vector<16xi32>
        %add3A_245 = arith.addi %add3A_223, %add3A_241 : i32
        %add3A_246 = vector.broadcast %add3A_245 : i32 to vector<16xi32>
        %add3A_247 = arith.addi %add3A_246, %iota3A : vector<16xi32>
        %min3A_248 = vector.broadcast %add3A_220 : i32 to vector<16xi32>
        %min3A_249 = arith.minsi %add3A_247, %min3A_248 : vector<16xi32>
        %gather3A_250 = tpu.vector_load_idx %arg10[%min3A_249] : memref<8192xi32, #tpu.memory_space<vmem>>[vector<16xi32>], vector<16xi32>,
        %add3A_251 = arith.addi %while3A_236, %iota3A : vector<16xi32>
        %gather3A_252 = tpu.vector_load_idx %arg8[%add3A_251] : memref<3152xi32, #tpu.memory_space<vmem>>[vector<16xi32>], vector<16xi32>,
        %gather3A_253 = tpu.vector_load_idx %arg9[%add3A_251] : memref<3152xi32, #tpu.memory_space<vmem>>[vector<16xi32>], vector<16xi32>,
        %sub3A_254 = arith.subi %gather3A_252, %add3A_243 : vector<16xi32>
        %bitcast3A = vector.bitcast %sub3A_254 : vector<16xi32> to vector<16xi32>
        %lt3A = arith.constant 16 : i32
        %lt3A_255 = vector.broadcast %lt3A : i32 to vector<16xi32>
        %lt3A_256 = arith.cmpi ult, %bitcast3A, %lt3A_255 : vector<16xi32>
        %swap3A_257 = arith.constant 0 : index
        %swap3A_258 = tpu.vector_load %arg11[%swap3A_257] {strides = array<i32>} : memref<64xi32, #tpu.memory_space<vmem>>, vector<16xi32>,
        tpu.vector_store %arg11[%swap3A_257], %broadcast_in_dim3A_84 {strides = array<i32>} : memref<64xi32, #tpu.memory_space<vmem>>, vector<16xi32>,
        %scatter3A = arith.constant 0 : i32
        %scatter3A_259 = tpu.memref_slice %arg11[%scatter3A] : memref<64xi32, #tpu.memory_space<vmem>> -> memref<16xi32, #tpu.memory_space<vmem>>
        tpu.vector_store_idx %scatter3A_259[%sub3A_254], %gather3A_253 masked %lt3A_256 : memref<16xi32, #tpu.memory_space<vmem>>[vector<16xi32>], vector<16xi32>, vector<16xi1>
        %sub3A_260 = arith.constant 1 : i32
        %sub3A_261 = vector.broadcast %sub3A_260 : i32 to vector<16xi32>
        %sub3A_262 = arith.subi %while3A_236, %sub3A_261 : vector<16xi32>
        %max3A_263 = arith.constant 0 : i32
        %max3A_264 = vector.broadcast %max3A_263 : i32 to vector<16xi32>
        %max3A_265 = arith.maxsi %sub3A_262, %max3A_264 : vector<16xi32>
        %gather3A_266 = tpu.vector_load_idx %arg9[%max3A_265] : memref<3152xi32, #tpu.memory_space<vmem>>[vector<16xi32>], vector<16xi32>,
        %get3A = arith.constant 0 : index
        %get3A_267 = tpu.vector_load %arg11[%get3A] {strides = array<i32>} : memref<64xi32, #tpu.memory_space<vmem>>, vector<16xi32>,
        %bitcast3A_268 = vector.bitcast %get3A_267 : vector<16xi32> to vector<16xi32>
        %broadcast_in_dim3A_269 = arith.constant true
        %broadcast_in_dim3A_270 = vector.broadcast %broadcast_in_dim3A_269 : i1 to vector<16xi1>
        %masked_cummax3A = tpu.scan <max>, %bitcast3A_268 masked %broadcast_in_dim3A_270 : vector<16xi32>, vector<16xi1> -> vector<16xi32>
        %bitcast3A_271 = vector.bitcast %gather3A_266 : vector<16xi32> to vector<16xi32>
        %max3A_272 = arith.maxui %masked_cummax3A, %bitcast3A_271 : vector<16xi32>
        %bitcast3A_273 = vector.bitcast %max3A_272 : vector<16xi32> to vector<16xi32>
        %gather3A_274 = tpu.vector_load_idx %arg6[%gather3A_250] : memref<100000xf32, #tpu.memory_space<vmem>>[vector<16xi32>], vector<16xf32>,
        %gather3A_275 = tpu.vector_load_idx %arg6[%bitcast3A_273] : memref<100000xf32, #tpu.memory_space<vmem>>[vector<16xi32>], vector<16xf32>,
        %sub3A_276 = arith.subf %gather3A_275, %gather3A_274 : vector<16xf32>
        %mul3A_277 = arith.mulf %sub3A_276, %sub3A_276 : vector<16xf32>
        %add3A_278 = arith.constant 9.99999997E-7 : f32
        %add3A_279 = vector.broadcast %add3A_278 : f32 to vector<16xf32>
        %add3A_280 = arith.addf %mul3A_277, %add3A_279 : vector<16xf32>
        %bitcast3A_281 = vector.bitcast %add3A_280 : vector<16xf32> to vector<16xi32>
        %shift_right_logical3A = arith.constant 1 : i32
        %shift_right_logical3A_282 = vector.broadcast %shift_right_logical3A : i32 to vector<16xi32>
        %shift_right_logical3A_283 = arith.shrui %bitcast3A_281, %shift_right_logical3A_282 : vector<16xi32>
        %sub3A_284 = arith.constant 1597463007 : i32
        %sub3A_285 = vector.broadcast %sub3A_284 : i32 to vector<16xi32>
        %sub3A_286 = arith.subi %sub3A_285, %shift_right_logical3A_283 : vector<16xi32>
        %bitcast3A_287 = vector.bitcast %sub3A_286 : vector<16xi32> to vector<16xf32>
        %mul3A_288 = arith.constant 5.000000e-01 : f32
        %mul3A_289 = vector.broadcast %mul3A_288 : f32 to vector<16xf32>
        %mul3A_290 = arith.mulf %mul3A_289, %add3A_280 : vector<16xf32>
        %mul3A_291 = arith.mulf %mul3A_290, %bitcast3A_287 : vector<16xf32>
        %mul3A_292 = arith.mulf %mul3A_291, %bitcast3A_287 : vector<16xf32>
        %sub3A_293 = arith.constant 1.500000e+00 : f32
        %sub3A_294 = vector.broadcast %sub3A_293 : f32 to vector<16xf32>
        %sub3A_295 = arith.subf %sub3A_294, %mul3A_292 : vector<16xf32>
        %mul3A_296 = arith.mulf %bitcast3A_287, %sub3A_295 : vector<16xf32>
        %mul3A_297 = arith.mulf %add3A_280, %mul3A_296 : vector<16xf32>
        %ge3A_298 = arith.cmpi sge, %add3A_244, %gather3A : vector<16xi32>
        %lt3A_299 = arith.cmpi slt, %add3A_244, %select_n3A : vector<16xi32>
        %and3A_300 = arith.andi %ge3A_298, %lt3A_299 : vector<16xi1>
        %sub3A_301 = arith.constant 1.000000e-03 : f32
        %sub3A_302 = vector.broadcast %sub3A_301 : f32 to vector<16xf32>
        %sub3A_303 = arith.subf %mul3A_297, %sub3A_302 : vector<16xf32>
        %jit3A_304 = arith.constant 0.000000e+00 : f32
        %broadcast_in_dim3A_305 = vector.broadcast %jit3A_304 : f32 to vector<16xf32>
        %select_n3A_306 = arith.select %and3A_300, %sub3A_303, %broadcast_in_dim3A_305 : vector<16xi1>, vector<16xf32>
        %add3A_307 = arith.addf %while3A_237, %select_n3A_306 : vector<16xf32>
        %all_reduce_population_count3A = tpu.all_reduce %lt3A_256 {dim = 0 : i64, kind = #tpu.reduction_kind<sum>} : vector<16xi1> -> vector<16xi32>
        %add3A_308 = arith.addi %while3A_236, %all_reduce_population_count3A : vector<16xi32>
        %mul3A_309 = arith.constant 64 : i32
        %mul3A_310 = arith.muli %while3A_235, %mul3A_309 : i32
        %add3A_311 = arith.constant 16 : i32
        %add3A_312 = arith.addi %mul3A_310, %add3A_311 : i32
        %add3A_313 = vector.broadcast %add3A_312 : i32 to vector<16xi32>
        %add3A_314 = arith.addi %add3A_160, %add3A_313 : vector<16xi32>
        %add3A_315 = arith.addi %add3A_314, %iota3A : vector<16xi32>
        %add3A_316 = arith.addi %add3A_223, %add3A_312 : i32
        %add3A_317 = vector.broadcast %add3A_316 : i32 to vector<16xi32>
        %add3A_318 = arith.addi %add3A_317, %iota3A : vector<16xi32>
        %min3A_319 = vector.broadcast %add3A_220 : i32 to vector<16xi32>
        %min3A_320 = arith.minsi %add3A_318, %min3A_319 : vector<16xi32>
        %gather3A_321 = tpu.vector_load_idx %arg10[%min3A_320] : memref<8192xi32, #tpu.memory_space<vmem>>[vector<16xi32>], vector<16xi32>,
        %add3A_322 = arith.addi %add3A_308, %iota3A : vector<16xi32>
        %gather3A_323 = tpu.vector_load_idx %arg8[%add3A_322] : memref<3152xi32, #tpu.memory_space<vmem>>[vector<16xi32>], vector<16xi32>,
        %gather3A_324 = tpu.vector_load_idx %arg9[%add3A_322] : memref<3152xi32, #tpu.memory_space<vmem>>[vector<16xi32>], vector<16xi32>,
        %sub3A_325 = arith.subi %gather3A_323, %add3A_314 : vector<16xi32>
        %bitcast3A_326 = vector.bitcast %sub3A_325 : vector<16xi32> to vector<16xi32>
        %lt3A_327 = arith.constant 16 : i32
        %lt3A_328 = vector.broadcast %lt3A_327 : i32 to vector<16xi32>
        %lt3A_329 = arith.cmpi ult, %bitcast3A_326, %lt3A_328 : vector<16xi32>
        %swap3A_330 = arith.constant 16 : index
        %swap3A_331 = tpu.vector_load %arg11[%swap3A_330] {strides = array<i32>} : memref<64xi32, #tpu.memory_space<vmem>>, vector<16xi32>,
        tpu.vector_store %arg11[%swap3A_330], %broadcast_in_dim3A_84 {strides = array<i32>} : memref<64xi32, #tpu.memory_space<vmem>>, vector<16xi32>,
        %scatter3A_332 = arith.constant 16 : i32
        %scatter3A_333 = tpu.memref_slice %arg11[%scatter3A_332] : memref<64xi32, #tpu.memory_space<vmem>> -> memref<16xi32, #tpu.memory_space<vmem>>
        tpu.vector_store_idx %scatter3A_333[%sub3A_325], %gather3A_324 masked %lt3A_329 : memref<16xi32, #tpu.memory_space<vmem>>[vector<16xi32>], vector<16xi32>, vector<16xi1>
        %sub3A_334 = arith.constant 1 : i32
        %sub3A_335 = vector.broadcast %sub3A_334 : i32 to vector<16xi32>
        %sub3A_336 = arith.subi %add3A_308, %sub3A_335 : vector<16xi32>
        %max3A_337 = arith.constant 0 : i32
        %max3A_338 = vector.broadcast %max3A_337 : i32 to vector<16xi32>
        %max3A_339 = arith.maxsi %sub3A_336, %max3A_338 : vector<16xi32>
        %gather3A_340 = tpu.vector_load_idx %arg9[%max3A_339] : memref<3152xi32, #tpu.memory_space<vmem>>[vector<16xi32>], vector<16xi32>,
        %get3A_341 = arith.constant 16 : index
        %get3A_342 = tpu.vector_load %arg11[%get3A_341] {strides = array<i32>} : memref<64xi32, #tpu.memory_space<vmem>>, vector<16xi32>,
        %bitcast3A_343 = vector.bitcast %get3A_342 : vector<16xi32> to vector<16xi32>
        %broadcast_in_dim3A_344 = arith.constant true
        %broadcast_in_dim3A_345 = vector.broadcast %broadcast_in_dim3A_344 : i1 to vector<16xi1>
        %masked_cummax3A_346 = tpu.scan <max>, %bitcast3A_343 masked %broadcast_in_dim3A_345 : vector<16xi32>, vector<16xi1> -> vector<16xi32>
        %bitcast3A_347 = vector.bitcast %gather3A_340 : vector<16xi32> to vector<16xi32>
        %max3A_348 = arith.maxui %masked_cummax3A_346, %bitcast3A_347 : vector<16xi32>
        %bitcast3A_349 = vector.bitcast %max3A_348 : vector<16xi32> to vector<16xi32>
        %gather3A_350 = tpu.vector_load_idx %arg6[%gather3A_321] : memref<100000xf32, #tpu.memory_space<vmem>>[vector<16xi32>], vector<16xf32>,
        %gather3A_351 = tpu.vector_load_idx %arg6[%bitcast3A_349] : memref<100000xf32, #tpu.memory_space<vmem>>[vector<16xi32>], vector<16xf32>,
        %sub3A_352 = arith.subf %gather3A_351, %gather3A_350 : vector<16xf32>
        %mul3A_353 = arith.mulf %sub3A_352, %sub3A_352 : vector<16xf32>
        %add3A_354 = arith.constant 9.99999997E-7 : f32
        %add3A_355 = vector.broadcast %add3A_354 : f32 to vector<16xf32>
        %add3A_356 = arith.addf %mul3A_353, %add3A_355 : vector<16xf32>
        %bitcast3A_357 = vector.bitcast %add3A_356 : vector<16xf32> to vector<16xi32>
        %shift_right_logical3A_358 = arith.constant 1 : i32
        %shift_right_logical3A_359 = vector.broadcast %shift_right_logical3A_358 : i32 to vector<16xi32>
        %shift_right_logical3A_360 = arith.shrui %bitcast3A_357, %shift_right_logical3A_359 : vector<16xi32>
        %sub3A_361 = arith.constant 1597463007 : i32
        %sub3A_362 = vector.broadcast %sub3A_361 : i32 to vector<16xi32>
        %sub3A_363 = arith.subi %sub3A_362, %shift_right_logical3A_360 : vector<16xi32>
        %bitcast3A_364 = vector.bitcast %sub3A_363 : vector<16xi32> to vector<16xf32>
        %mul3A_365 = arith.constant 5.000000e-01 : f32
        %mul3A_366 = vector.broadcast %mul3A_365 : f32 to vector<16xf32>
        %mul3A_367 = arith.mulf %mul3A_366, %add3A_356 : vector<16xf32>
        %mul3A_368 = arith.mulf %mul3A_367, %bitcast3A_364 : vector<16xf32>
        %mul3A_369 = arith.mulf %mul3A_368, %bitcast3A_364 : vector<16xf32>
        %sub3A_370 = arith.constant 1.500000e+00 : f32
        %sub3A_371 = vector.broadcast %sub3A_370 : f32 to vector<16xf32>
        %sub3A_372 = arith.subf %sub3A_371, %mul3A_369 : vector<16xf32>
        %mul3A_373 = arith.mulf %bitcast3A_364, %sub3A_372 : vector<16xf32>
        %mul3A_374 = arith.mulf %add3A_356, %mul3A_373 : vector<16xf32>
        %ge3A_375 = arith.cmpi sge, %add3A_315, %gather3A : vector<16xi32>
        %lt3A_376 = arith.cmpi slt, %add3A_315, %select_n3A : vector<16xi32>
        %and3A_377 = arith.andi %ge3A_375, %lt3A_376 : vector<16xi1>
        %sub3A_378 = arith.constant 1.000000e-03 : f32
        %sub3A_379 = vector.broadcast %sub3A_378 : f32 to vector<16xf32>
        %sub3A_380 = arith.subf %mul3A_374, %sub3A_379 : vector<16xf32>
        %jit3A_381 = arith.constant 0.000000e+00 : f32
        %broadcast_in_dim3A_382 = vector.broadcast %jit3A_381 : f32 to vector<16xf32>
        %select_n3A_383 = arith.select %and3A_377, %sub3A_380, %broadcast_in_dim3A_382 : vector<16xi1>, vector<16xf32>
        %add3A_384 = arith.addf %add3A_307, %select_n3A_383 : vector<16xf32>
        %all_reduce_population_count3A_385 = tpu.all_reduce %lt3A_329 {dim = 0 : i64, kind = #tpu.reduction_kind<sum>} : vector<16xi1> -> vector<16xi32>
        %add3A_386 = arith.addi %add3A_308, %all_reduce_population_count3A_385 : vector<16xi32>
        %mul3A_387 = arith.constant 64 : i32
        %mul3A_388 = arith.muli %while3A_235, %mul3A_387 : i32
        %add3A_389 = arith.constant 32 : i32
        %add3A_390 = arith.addi %mul3A_388, %add3A_389 : i32
        %add3A_391 = vector.broadcast %add3A_390 : i32 to vector<16xi32>
        %add3A_392 = arith.addi %add3A_160, %add3A_391 : vector<16xi32>
        %add3A_393 = arith.addi %add3A_392, %iota3A : vector<16xi32>
        %add3A_394 = arith.addi %add3A_223, %add3A_390 : i32
        %add3A_395 = vector.broadcast %add3A_394 : i32 to vector<16xi32>
        %add3A_396 = arith.addi %add3A_395, %iota3A : vector<16xi32>
        %min3A_397 = vector.broadcast %add3A_220 : i32 to vector<16xi32>
        %min3A_398 = arith.minsi %add3A_396, %min3A_397 : vector<16xi32>
        %gather3A_399 = tpu.vector_load_idx %arg10[%min3A_398] : memref<8192xi32, #tpu.memory_space<vmem>>[vector<16xi32>], vector<16xi32>,
        %add3A_400 = arith.addi %add3A_386, %iota3A : vector<16xi32>
        %gather3A_401 = tpu.vector_load_idx %arg8[%add3A_400] : memref<3152xi32, #tpu.memory_space<vmem>>[vector<16xi32>], vector<16xi32>,
        %gather3A_402 = tpu.vector_load_idx %arg9[%add3A_400] : memref<3152xi32, #tpu.memory_space<vmem>>[vector<16xi32>], vector<16xi32>,
        %sub3A_403 = arith.subi %gather3A_401, %add3A_392 : vector<16xi32>
        %bitcast3A_404 = vector.bitcast %sub3A_403 : vector<16xi32> to vector<16xi32>
        %lt3A_405 = arith.constant 16 : i32
        %lt3A_406 = vector.broadcast %lt3A_405 : i32 to vector<16xi32>
        %lt3A_407 = arith.cmpi ult, %bitcast3A_404, %lt3A_406 : vector<16xi32>
        %swap3A_408 = arith.constant 32 : index
        %swap3A_409 = tpu.vector_load %arg11[%swap3A_408] {strides = array<i32>} : memref<64xi32, #tpu.memory_space<vmem>>, vector<16xi32>,
        tpu.vector_store %arg11[%swap3A_408], %broadcast_in_dim3A_84 {strides = array<i32>} : memref<64xi32, #tpu.memory_space<vmem>>, vector<16xi32>,
        %scatter3A_410 = arith.constant 32 : i32
        %scatter3A_411 = tpu.memref_slice %arg11[%scatter3A_410] : memref<64xi32, #tpu.memory_space<vmem>> -> memref<16xi32, #tpu.memory_space<vmem>>
        tpu.vector_store_idx %scatter3A_411[%sub3A_403], %gather3A_402 masked %lt3A_407 : memref<16xi32, #tpu.memory_space<vmem>>[vector<16xi32>], vector<16xi32>, vector<16xi1>
        %sub3A_412 = arith.constant 1 : i32
        %sub3A_413 = vector.broadcast %sub3A_412 : i32 to vector<16xi32>
        %sub3A_414 = arith.subi %add3A_386, %sub3A_413 : vector<16xi32>
        %max3A_415 = arith.constant 0 : i32
        %max3A_416 = vector.broadcast %max3A_415 : i32 to vector<16xi32>
        %max3A_417 = arith.maxsi %sub3A_414, %max3A_416 : vector<16xi32>
        %gather3A_418 = tpu.vector_load_idx %arg9[%max3A_417] : memref<3152xi32, #tpu.memory_space<vmem>>[vector<16xi32>], vector<16xi32>,
        %get3A_419 = arith.constant 32 : index
        %get3A_420 = tpu.vector_load %arg11[%get3A_419] {strides = array<i32>} : memref<64xi32, #tpu.memory_space<vmem>>, vector<16xi32>,
        %bitcast3A_421 = vector.bitcast %get3A_420 : vector<16xi32> to vector<16xi32>
        %broadcast_in_dim3A_422 = arith.constant true
        %broadcast_in_dim3A_423 = vector.broadcast %broadcast_in_dim3A_422 : i1 to vector<16xi1>
        %masked_cummax3A_424 = tpu.scan <max>, %bitcast3A_421 masked %broadcast_in_dim3A_423 : vector<16xi32>, vector<16xi1> -> vector<16xi32>
        %bitcast3A_425 = vector.bitcast %gather3A_418 : vector<16xi32> to vector<16xi32>
        %max3A_426 = arith.maxui %masked_cummax3A_424, %bitcast3A_425 : vector<16xi32>
        %bitcast3A_427 = vector.bitcast %max3A_426 : vector<16xi32> to vector<16xi32>
        %gather3A_428 = tpu.vector_load_idx %arg6[%gather3A_399] : memref<100000xf32, #tpu.memory_space<vmem>>[vector<16xi32>], vector<16xf32>,
        %gather3A_429 = tpu.vector_load_idx %arg6[%bitcast3A_427] : memref<100000xf32, #tpu.memory_space<vmem>>[vector<16xi32>], vector<16xf32>,
        %sub3A_430 = arith.subf %gather3A_429, %gather3A_428 : vector<16xf32>
        %mul3A_431 = arith.mulf %sub3A_430, %sub3A_430 : vector<16xf32>
        %add3A_432 = arith.constant 9.99999997E-7 : f32
        %add3A_433 = vector.broadcast %add3A_432 : f32 to vector<16xf32>
        %add3A_434 = arith.addf %mul3A_431, %add3A_433 : vector<16xf32>
        %bitcast3A_435 = vector.bitcast %add3A_434 : vector<16xf32> to vector<16xi32>
        %shift_right_logical3A_436 = arith.constant 1 : i32
        %shift_right_logical3A_437 = vector.broadcast %shift_right_logical3A_436 : i32 to vector<16xi32>
        %shift_right_logical3A_438 = arith.shrui %bitcast3A_435, %shift_right_logical3A_437 : vector<16xi32>
        %sub3A_439 = arith.constant 1597463007 : i32
        %sub3A_440 = vector.broadcast %sub3A_439 : i32 to vector<16xi32>
        %sub3A_441 = arith.subi %sub3A_440, %shift_right_logical3A_438 : vector<16xi32>
        %bitcast3A_442 = vector.bitcast %sub3A_441 : vector<16xi32> to vector<16xf32>
        %mul3A_443 = arith.constant 5.000000e-01 : f32
        %mul3A_444 = vector.broadcast %mul3A_443 : f32 to vector<16xf32>
        %mul3A_445 = arith.mulf %mul3A_444, %add3A_434 : vector<16xf32>
        %mul3A_446 = arith.mulf %mul3A_445, %bitcast3A_442 : vector<16xf32>
        %mul3A_447 = arith.mulf %mul3A_446, %bitcast3A_442 : vector<16xf32>
        %sub3A_448 = arith.constant 1.500000e+00 : f32
        %sub3A_449 = vector.broadcast %sub3A_448 : f32 to vector<16xf32>
        %sub3A_450 = arith.subf %sub3A_449, %mul3A_447 : vector<16xf32>
        %mul3A_451 = arith.mulf %bitcast3A_442, %sub3A_450 : vector<16xf32>
        %mul3A_452 = arith.mulf %add3A_434, %mul3A_451 : vector<16xf32>
        %ge3A_453 = arith.cmpi sge, %add3A_393, %gather3A : vector<16xi32>
        %lt3A_454 = arith.cmpi slt, %add3A_393, %select_n3A : vector<16xi32>
        %and3A_455 = arith.andi %ge3A_453, %lt3A_454 : vector<16xi1>
        %sub3A_456 = arith.constant 1.000000e-03 : f32
        %sub3A_457 = vector.broadcast %sub3A_456 : f32 to vector<16xf32>
        %sub3A_458 = arith.subf %mul3A_452, %sub3A_457 : vector<16xf32>
        %jit3A_459 = arith.constant 0.000000e+00 : f32
        %broadcast_in_dim3A_460 = vector.broadcast %jit3A_459 : f32 to vector<16xf32>
        %select_n3A_461 = arith.select %and3A_455, %sub3A_458, %broadcast_in_dim3A_460 : vector<16xi1>, vector<16xf32>
        %add3A_462 = arith.addf %add3A_384, %select_n3A_461 : vector<16xf32>
        %all_reduce_population_count3A_463 = tpu.all_reduce %lt3A_407 {dim = 0 : i64, kind = #tpu.reduction_kind<sum>} : vector<16xi1> -> vector<16xi32>
        %add3A_464 = arith.addi %add3A_386, %all_reduce_population_count3A_463 : vector<16xi32>
        %mul3A_465 = arith.constant 64 : i32
        %mul3A_466 = arith.muli %while3A_235, %mul3A_465 : i32
        %add3A_467 = arith.constant 48 : i32
        %add3A_468 = arith.addi %mul3A_466, %add3A_467 : i32
        %add3A_469 = vector.broadcast %add3A_468 : i32 to vector<16xi32>
        %add3A_470 = arith.addi %add3A_160, %add3A_469 : vector<16xi32>
        %add3A_471 = arith.addi %add3A_470, %iota3A : vector<16xi32>
        %add3A_472 = arith.addi %add3A_223, %add3A_468 : i32
        %add3A_473 = vector.broadcast %add3A_472 : i32 to vector<16xi32>
        %add3A_474 = arith.addi %add3A_473, %iota3A : vector<16xi32>
        %min3A_475 = vector.broadcast %add3A_220 : i32 to vector<16xi32>
        %min3A_476 = arith.minsi %add3A_474, %min3A_475 : vector<16xi32>
        %gather3A_477 = tpu.vector_load_idx %arg10[%min3A_476] : memref<8192xi32, #tpu.memory_space<vmem>>[vector<16xi32>], vector<16xi32>,
        %add3A_478 = arith.addi %add3A_464, %iota3A : vector<16xi32>
        %gather3A_479 = tpu.vector_load_idx %arg8[%add3A_478] : memref<3152xi32, #tpu.memory_space<vmem>>[vector<16xi32>], vector<16xi32>,
        %gather3A_480 = tpu.vector_load_idx %arg9[%add3A_478] : memref<3152xi32, #tpu.memory_space<vmem>>[vector<16xi32>], vector<16xi32>,
        %sub3A_481 = arith.subi %gather3A_479, %add3A_470 : vector<16xi32>
        %bitcast3A_482 = vector.bitcast %sub3A_481 : vector<16xi32> to vector<16xi32>
        %lt3A_483 = arith.constant 16 : i32
        %lt3A_484 = vector.broadcast %lt3A_483 : i32 to vector<16xi32>
        %lt3A_485 = arith.cmpi ult, %bitcast3A_482, %lt3A_484 : vector<16xi32>
        %swap3A_486 = arith.constant 48 : index
        %swap3A_487 = tpu.vector_load %arg11[%swap3A_486] {strides = array<i32>} : memref<64xi32, #tpu.memory_space<vmem>>, vector<16xi32>,
        tpu.vector_store %arg11[%swap3A_486], %broadcast_in_dim3A_84 {strides = array<i32>} : memref<64xi32, #tpu.memory_space<vmem>>, vector<16xi32>,
        %scatter3A_488 = arith.constant 48 : i32
        %scatter3A_489 = tpu.memref_slice %arg11[%scatter3A_488] : memref<64xi32, #tpu.memory_space<vmem>> -> memref<16xi32, #tpu.memory_space<vmem>>
        tpu.vector_store_idx %scatter3A_489[%sub3A_481], %gather3A_480 masked %lt3A_485 : memref<16xi32, #tpu.memory_space<vmem>>[vector<16xi32>], vector<16xi32>, vector<16xi1>
        %sub3A_490 = arith.constant 1 : i32
        %sub3A_491 = vector.broadcast %sub3A_490 : i32 to vector<16xi32>
        %sub3A_492 = arith.subi %add3A_464, %sub3A_491 : vector<16xi32>
        %max3A_493 = arith.constant 0 : i32
        %max3A_494 = vector.broadcast %max3A_493 : i32 to vector<16xi32>
        %max3A_495 = arith.maxsi %sub3A_492, %max3A_494 : vector<16xi32>
        %gather3A_496 = tpu.vector_load_idx %arg9[%max3A_495] : memref<3152xi32, #tpu.memory_space<vmem>>[vector<16xi32>], vector<16xi32>,
        %get3A_497 = arith.constant 48 : index
        %get3A_498 = tpu.vector_load %arg11[%get3A_497] {strides = array<i32>} : memref<64xi32, #tpu.memory_space<vmem>>, vector<16xi32>,
        %bitcast3A_499 = vector.bitcast %get3A_498 : vector<16xi32> to vector<16xi32>
        %broadcast_in_dim3A_500 = arith.constant true
        %broadcast_in_dim3A_501 = vector.broadcast %broadcast_in_dim3A_500 : i1 to vector<16xi1>
        %masked_cummax3A_502 = tpu.scan <max>, %bitcast3A_499 masked %broadcast_in_dim3A_501 : vector<16xi32>, vector<16xi1> -> vector<16xi32>
        %bitcast3A_503 = vector.bitcast %gather3A_496 : vector<16xi32> to vector<16xi32>
        %max3A_504 = arith.maxui %masked_cummax3A_502, %bitcast3A_503 : vector<16xi32>
        %bitcast3A_505 = vector.bitcast %max3A_504 : vector<16xi32> to vector<16xi32>
        %gather3A_506 = tpu.vector_load_idx %arg6[%gather3A_477] : memref<100000xf32, #tpu.memory_space<vmem>>[vector<16xi32>], vector<16xf32>,
        %gather3A_507 = tpu.vector_load_idx %arg6[%bitcast3A_505] : memref<100000xf32, #tpu.memory_space<vmem>>[vector<16xi32>], vector<16xf32>,
        %sub3A_508 = arith.subf %gather3A_507, %gather3A_506 : vector<16xf32>
        %mul3A_509 = arith.mulf %sub3A_508, %sub3A_508 : vector<16xf32>
        %add3A_510 = arith.constant 9.99999997E-7 : f32
        %add3A_511 = vector.broadcast %add3A_510 : f32 to vector<16xf32>
        %add3A_512 = arith.addf %mul3A_509, %add3A_511 : vector<16xf32>
        %bitcast3A_513 = vector.bitcast %add3A_512 : vector<16xf32> to vector<16xi32>
        %shift_right_logical3A_514 = arith.constant 1 : i32
        %shift_right_logical3A_515 = vector.broadcast %shift_right_logical3A_514 : i32 to vector<16xi32>
        %shift_right_logical3A_516 = arith.shrui %bitcast3A_513, %shift_right_logical3A_515 : vector<16xi32>
        %sub3A_517 = arith.constant 1597463007 : i32
        %sub3A_518 = vector.broadcast %sub3A_517 : i32 to vector<16xi32>
        %sub3A_519 = arith.subi %sub3A_518, %shift_right_logical3A_516 : vector<16xi32>
        %bitcast3A_520 = vector.bitcast %sub3A_519 : vector<16xi32> to vector<16xf32>
        %mul3A_521 = arith.constant 5.000000e-01 : f32
        %mul3A_522 = vector.broadcast %mul3A_521 : f32 to vector<16xf32>
        %mul3A_523 = arith.mulf %mul3A_522, %add3A_512 : vector<16xf32>
        %mul3A_524 = arith.mulf %mul3A_523, %bitcast3A_520 : vector<16xf32>
        %mul3A_525 = arith.mulf %mul3A_524, %bitcast3A_520 : vector<16xf32>
        %sub3A_526 = arith.constant 1.500000e+00 : f32
        %sub3A_527 = vector.broadcast %sub3A_526 : f32 to vector<16xf32>
        %sub3A_528 = arith.subf %sub3A_527, %mul3A_525 : vector<16xf32>
        %mul3A_529 = arith.mulf %bitcast3A_520, %sub3A_528 : vector<16xf32>
        %mul3A_530 = arith.mulf %add3A_512, %mul3A_529 : vector<16xf32>
        %ge3A_531 = arith.cmpi sge, %add3A_471, %gather3A : vector<16xi32>
        %lt3A_532 = arith.cmpi slt, %add3A_471, %select_n3A : vector<16xi32>
        %and3A_533 = arith.andi %ge3A_531, %lt3A_532 : vector<16xi1>
        %sub3A_534 = arith.constant 1.000000e-03 : f32
        %sub3A_535 = vector.broadcast %sub3A_534 : f32 to vector<16xf32>
        %sub3A_536 = arith.subf %mul3A_530, %sub3A_535 : vector<16xf32>
        %jit3A_537 = arith.constant 0.000000e+00 : f32
        %broadcast_in_dim3A_538 = vector.broadcast %jit3A_537 : f32 to vector<16xf32>
        %select_n3A_539 = arith.select %and3A_533, %sub3A_536, %broadcast_in_dim3A_538 : vector<16xi1>, vector<16xf32>
        %add3A_540 = arith.addf %add3A_462, %select_n3A_539 : vector<16xf32>
        %all_reduce_population_count3A_541 = tpu.all_reduce %lt3A_485 {dim = 0 : i64, kind = #tpu.reduction_kind<sum>} : vector<16xi1> -> vector<16xi32>
        %add3A_542 = arith.addi %add3A_464, %all_reduce_population_count3A_541 : vector<16xi32>
        scf.yield %add3A_542, %add3A_540 : vector<16xi32>, vector<16xf32>
      }
      scf.yield %while3A_234#0, %while3A_234#1 : vector<16xi32>, vector<16xf32>
    }
    %while3A_97 = arith.constant 1 : i32
    %while3A_98:2 = scf.for %while3A_114 = %while3A_94 to %while3A_90 step %while3A_97 iter_args(%while3A_115 = %while3A_96#0, %while3A_116 = %while3A_96#1) -> (vector<16xi32>, vector<16xf32>)  : i32 {
      %and3A_117 = arith.constant 1 : i32
      %and3A_118 = arith.andi %while3A_114, %and3A_117 : i32
      %add3A_119 = arith.constant 1 : i32
      %add3A_120 = arith.addi %while3A_114, %add3A_119 : i32
      %add3A_121 = arith.constant 1 : i32
      %add3A_122 = arith.addi %while3A_114, %add3A_121 : i32
      %and3A_123 = arith.constant 1 : i32
      %and3A_124 = arith.andi %add3A_122, %and3A_123 : i32
      %mul3A_125 = arith.constant 4096 : i32
      %mul3A_126 = arith.muli %add3A_120, %mul3A_125 : i32
      %add3A_127 = arith.addi %reduce_max3A_28, %mul3A_126 : i32
      %min3A_128 = arith.constant 1595904 : i32
      %min3A_129 = arith.minsi %add3A_127, %min3A_128 : i32
      %multiple_of3A_130 = tpu.assume_multiple %min3A_129, 8 : i32
      %mul3A_131 = arith.constant 4096 : i32
      %mul3A_132 = arith.muli %and3A_124, %mul3A_131 : i32
      %multiple_of3A_133 = tpu.assume_multiple %mul3A_132, 8 : i32
      %dma_start3A_134 = tpu.memref_slice %arg10[%multiple_of3A_133] : memref<8192xi32, #tpu.memory_space<vmem>> -> memref<4096xi32, #tpu.memory_space<vmem>>
      %dma_start3A_135 = tpu.memref_slice %arg3[%multiple_of3A_130] : memref<1600000xi32, #tpu.memory_space<hbm>> -> memref<4096xi32, #tpu.memory_space<hbm>>
      %dma_start3A_136 = tpu.memref_slice %arg14[%and3A_124] : memref<2x!tpu.dma_semaphore, #tpu.memory_space<semaphore_mem>> -> memref<1x!tpu.dma_semaphore, #tpu.memory_space<semaphore_mem>>
      %dma_start3A_137 = tpu.memref_squeeze %dma_start3A_136 : memref<1x!tpu.dma_semaphore, #tpu.memory_space<semaphore_mem>> -> memref<!tpu.dma_semaphore, #tpu.memory_space<semaphore_mem>>
      %dma_start3A_138 = tpu.memref_slice %arg10[%multiple_of3A_133] : memref<8192xi32, #tpu.memory_space<vmem>> -> memref<4096xi32, #tpu.memory_space<vmem>>
      %dma_start3A_139 = tpu.memref_slice %arg3[%multiple_of3A_130] : memref<1600000xi32, #tpu.memory_space<hbm>> -> memref<4096xi32, #tpu.memory_space<hbm>>
      tpu.enqueue_dma source(%dma_start3A_139 : memref<4096xi32, #tpu.memory_space<hbm>>) target(%dma_start3A_138 : memref<4096xi32, #tpu.memory_space<vmem>>) target_semaphore(%dma_start3A_137 : memref<!tpu.dma_semaphore, #tpu.memory_space<semaphore_mem>>)
      %mul3A_140 = arith.constant 4096 : i32
      %mul3A_141 = arith.muli %and3A_118, %mul3A_140 : i32
      %multiple_of3A_142 = tpu.assume_multiple %mul3A_141, 8 : i32
      %dma_wait3A_143 = tpu.memref_slice %arg10[%multiple_of3A_142] : memref<8192xi32, #tpu.memory_space<vmem>> -> memref<4096xi32, #tpu.memory_space<vmem>>
      %dma_wait3A_144 = arith.constant 0 : i32
      %dma_wait3A_145 = tpu.memref_slice %arg3[%dma_wait3A_144] : memref<1600000xi32, #tpu.memory_space<hbm>> -> memref<4096xi32, #tpu.memory_space<hbm>>
      %dma_wait3A_146 = tpu.memref_slice %arg14[%and3A_118] : memref<2x!tpu.dma_semaphore, #tpu.memory_space<semaphore_mem>> -> memref<1x!tpu.dma_semaphore, #tpu.memory_space<semaphore_mem>>
      %dma_wait3A_147 = tpu.memref_squeeze %dma_wait3A_146 : memref<1x!tpu.dma_semaphore, #tpu.memory_space<semaphore_mem>> -> memref<!tpu.dma_semaphore, #tpu.memory_space<semaphore_mem>>
      %dma_wait3A_148 = tpu.memref_slice %arg10[%multiple_of3A_142] : memref<8192xi32, #tpu.memory_space<vmem>> -> memref<4096xi32, #tpu.memory_space<vmem>>
      %dma_wait3A_149 = arith.constant 0 : i32
      %dma_wait3A_150 = tpu.memref_slice %arg3[%dma_wait3A_149] : memref<1600000xi32, #tpu.memory_space<hbm>> -> memref<4096xi32, #tpu.memory_space<hbm>>
      tpu.wait_dma2 semaphore(%dma_wait3A_147 : memref<!tpu.dma_semaphore, #tpu.memory_space<semaphore_mem>>) src(%dma_wait3A_150 : memref<4096xi32, #tpu.memory_space<hbm>>) dst(%dma_wait3A_148 : memref<4096xi32, #tpu.memory_space<vmem>>)
      %mul3A_151 = arith.constant 4096 : i32
      %mul3A_152 = arith.muli %while3A_114, %mul3A_151 : i32
      %add3A_153 = arith.addi %reduce_max3A_28, %mul3A_152 : i32
      %min3A_154 = arith.constant 1595904 : i32
      %min3A_155 = arith.minsi %add3A_153, %min3A_154 : i32
      %sub3A_156 = arith.subi %add3A_153, %min3A_155 : i32
      %mul3A_157 = arith.constant 4096 : i32
      %mul3A_158 = arith.muli %while3A_114, %mul3A_157 : i32
      %add3A_159 = vector.broadcast %mul3A_158 : i32 to vector<16xi32>
      %add3A_160 = arith.addi %and3A_21, %add3A_159 : vector<16xi32>
      %sub3A_161 = arith.subi %reduce_max3A_36, %add3A_153 : i32
      %add3A_162 = arith.constant 15 : i32
      %add3A_163 = arith.addi %sub3A_161, %add3A_162 : i32
      %jit3A_164 = arith.constant 16 : i32
      %div3A_165 = arith.divsi %add3A_163, %jit3A_164 : i32
      %sign3A_166 = arith.constant 0 : i32
      %sign3A_167 = arith.cmpi sgt, %add3A_163, %sign3A_166 : i32
      %sign3A_168 = arith.extui %sign3A_167 : i1 to i32
      %sign3A_169 = arith.constant 0 : i32
      %sign3A_170 = arith.cmpi slt, %add3A_163, %sign3A_169 : i32
      %sign3A_171 = arith.extui %sign3A_170 : i1 to i32
      %sign3A_172 = arith.subi %sign3A_168, %sign3A_171 : i32
      %sign3A_173 = arith.constant 0 : i32
      %sign3A_174 = arith.cmpi sgt, %jit3A_164, %sign3A_173 : i32
      %sign3A_175 = arith.extui %sign3A_174 : i1 to i32
      %sign3A_176 = arith.constant 0 : i32
      %sign3A_177 = arith.cmpi slt, %jit3A_164, %sign3A_176 : i32
      %sign3A_178 = arith.extui %sign3A_177 : i1 to i32
      %sign3A_179 = arith.subi %sign3A_175, %sign3A_178 : i32
      %ne3A_180 = arith.cmpi ne, %sign3A_172, %sign3A_179 : i32
      %rem3A_181 = arith.remsi %add3A_163, %jit3A_164 : i32
      %ne3A_182 = arith.constant 0 : i32
      %ne3A_183 = arith.cmpi ne, %rem3A_181, %ne3A_182 : i32
      %and3A_184 = arith.andi %ne3A_180, %ne3A_183 : i1
      %sub3A_185 = arith.constant 1 : i32
      %sub3A_186 = arith.subi %div3A_165, %sub3A_185 : i32
      %select_n3A_187 = arith.select %and3A_184, %sub3A_186, %div3A_165 : i32
      %max3A = arith.constant 0 : i32
      %max3A_188 = arith.maxsi %max3A, %select_n3A_187 : i32
      %min3A_189 = arith.constant 256 : i32
      %min3A_190 = arith.minsi %min3A_189, %max3A_188 : i32
      %add3A_191 = arith.constant 3 : i32
      %add3A_192 = arith.addi %min3A_190, %add3A_191 : i32
      %jit3A_193 = arith.constant 4 : i32
      %div3A_194 = arith.divsi %add3A_192, %jit3A_193 : i32
      %sign3A_195 = arith.constant 0 : i32
      %sign3A_196 = arith.cmpi sgt, %add3A_192, %sign3A_195 : i32
      %sign3A_197 = arith.extui %sign3A_196 : i1 to i32
      %sign3A_198 = arith.constant 0 : i32
      %sign3A_199 = arith.cmpi slt, %add3A_192, %sign3A_198 : i32
      %sign3A_200 = arith.extui %sign3A_199 : i1 to i32
      %sign3A_201 = arith.subi %sign3A_197, %sign3A_200 : i32
      %sign3A_202 = arith.constant 0 : i32
      %sign3A_203 = arith.cmpi sgt, %jit3A_193, %sign3A_202 : i32
      %sign3A_204 = arith.extui %sign3A_203 : i1 to i32
      %sign3A_205 = arith.constant 0 : i32
      %sign3A_206 = arith.cmpi slt, %jit3A_193, %sign3A_205 : i32
      %sign3A_207 = arith.extui %sign3A_206 : i1 to i32
      %sign3A_208 = arith.subi %sign3A_204, %sign3A_207 : i32
      %ne3A_209 = arith.cmpi ne, %sign3A_201, %sign3A_208 : i32
      %rem3A_210 = arith.remsi %add3A_192, %jit3A_193 : i32
      %ne3A_211 = arith.constant 0 : i32
      %ne3A_212 = arith.cmpi ne, %rem3A_210, %ne3A_211 : i32
      %and3A_213 = arith.andi %ne3A_209, %ne3A_212 : i1
      %sub3A_214 = arith.constant 1 : i32
      %sub3A_215 = arith.subi %div3A_194, %sub3A_214 : i32
      %select_n3A_216 = arith.select %and3A_213, %sub3A_215, %div3A_194 : i32
      %mul3A_217 = arith.constant 4096 : i32
      %mul3A_218 = arith.muli %and3A_118, %mul3A_217 : i32
      %add3A_219 = arith.constant 4095 : i32
      %add3A_220 = arith.addi %mul3A_218, %add3A_219 : i32
      %mul3A_221 = arith.constant 4096 : i32
      %mul3A_222 = arith.muli %and3A_118, %mul3A_221 : i32
      %add3A_223 = arith.addi %mul3A_222, %sub3A_156 : i32
      %while3A_224 = arith.constant 0 : i32
      %while3A_225 = arith.subi %select_n3A_216, %while3A_224 : i32
      %while3A_226 = arith.addi %while3A_224, %while3A_225 : i32
      %while3A_227 = arith.constant 1 : i32
      %while3A_228 = arith.divsi %while3A_225, %while3A_227 : i32
      %while3A_229 = arith.muli %while3A_228, %while3A_227 : i32
      %while3A_230 = arith.addi %while3A_224, %while3A_229 : i32
      %while3A_231 = arith.constant 1 : i32
      %while3A_232:2 = scf.for %while3A_235 = %while3A_224 to %while3A_230 step %while3A_231 iter_args(%while3A_236 = %while3A_115, %while3A_237 = %while3A_116) -> (vector<16xi32>, vector<16xf32>)  : i32 {
        %mul3A_238 = arith.constant 64 : i32
        %mul3A_239 = arith.muli %while3A_235, %mul3A_238 : i32
        %add3A_240 = arith.constant 0 : i32
        %add3A_241 = arith.addi %mul3A_239, %add3A_240 : i32
        %add3A_242 = vector.broadcast %add3A_241 : i32 to vector<16xi32>
        %add3A_243 = arith.addi %add3A_160, %add3A_242 : vector<16xi32>
        %add3A_244 = arith.addi %add3A_243, %iota3A : vector<16xi32>
        %add3A_245 = arith.addi %add3A_223, %add3A_241 : i32
        %add3A_246 = vector.broadcast %add3A_245 : i32 to vector<16xi32>
        %add3A_247 = arith.addi %add3A_246, %iota3A : vector<16xi32>
        %min3A_248 = vector.broadcast %add3A_220 : i32 to vector<16xi32>
        %min3A_249 = arith.minsi %add3A_247, %min3A_248 : vector<16xi32>
        %gather3A_250 = tpu.vector_load_idx %arg10[%min3A_249] : memref<8192xi32, #tpu.memory_space<vmem>>[vector<16xi32>], vector<16xi32>,
        %add3A_251 = arith.addi %while3A_236, %iota3A : vector<16xi32>
        %gather3A_252 = tpu.vector_load_idx %arg8[%add3A_251] : memref<3152xi32, #tpu.memory_space<vmem>>[vector<16xi32>], vector<16xi32>,
        %gather3A_253 = tpu.vector_load_idx %arg9[%add3A_251] : memref<3152xi32, #tpu.memory_space<vmem>>[vector<16xi32>], vector<16xi32>,
        %sub3A_254 = arith.subi %gather3A_252, %add3A_243 : vector<16xi32>
        %bitcast3A = vector.bitcast %sub3A_254 : vector<16xi32> to vector<16xi32>
        %lt3A = arith.constant 16 : i32
        %lt3A_255 = vector.broadcast %lt3A : i32 to vector<16xi32>
        %lt3A_256 = arith.cmpi ult, %bitcast3A, %lt3A_255 : vector<16xi32>
        %swap3A_257 = arith.constant 0 : index
        %swap3A_258 = tpu.vector_load %arg11[%swap3A_257] {strides = array<i32>} : memref<64xi32, #tpu.memory_space<vmem>>, vector<16xi32>,
        tpu.vector_store %arg11[%swap3A_257], %broadcast_in_dim3A_84 {strides = array<i32>} : memref<64xi32, #tpu.memory_space<vmem>>, vector<16xi32>,
        %scatter3A = arith.constant 0 : i32
        %scatter3A_259 = tpu.memref_slice %arg11[%scatter3A] : memref<64xi32, #tpu.memory_space<vmem>> -> memref<16xi32, #tpu.memory_space<vmem>>
        tpu.vector_store_idx %scatter3A_259[%sub3A_254], %gather3A_253 masked %lt3A_256 : memref<16xi32, #tpu.memory_space<vmem>>[vector<16xi32>], vector<16xi32>, vector<16xi1>
        %sub3A_260 = arith.constant 1 : i32
        %sub3A_261 = vector.broadcast %sub3A_260 : i32 to vector<16xi32>
        %sub3A_262 = arith.subi %while3A_236, %sub3A_261 : vector<16xi32>
        %max3A_263 = arith.constant 0 : i32
        %max3A_264 = vector.broadcast %max3A_263 : i32 to vector<16xi32>
        %max3A_265 = arith.maxsi %sub3A_262, %max3A_264 : vector<16xi32>
        %gather3A_266 = tpu.vector_load_idx %arg9[%max3A_265] : memref<3152xi32, #tpu.memory_space<vmem>>[vector<16xi32>], vector<16xi32>,
        %get3A = arith.constant 0 : index
        %get3A_267 = tpu.vector_load %arg11[%get3A] {strides = array<i32>} : memref<64xi32, #tpu.memory_space<vmem>>, vector<16xi32>,
        %bitcast3A_268 = vector.bitcast %get3A_267 : vector<16xi32> to vector<16xi32>
        %broadcast_in_dim3A_269 = arith.constant true
        %broadcast_in_dim3A_270 = vector.broadcast %broadcast_in_dim3A_269 : i1 to vector<16xi1>
        %masked_cummax3A = tpu.scan <max>, %bitcast3A_268 masked %broadcast_in_dim3A_270 : vector<16xi32>, vector<16xi1> -> vector<16xi32>
        %bitcast3A_271 = vector.bitcast %gather3A_266 : vector<16xi32> to vector<16xi32>
        %max3A_272 = arith.maxui %masked_cummax3A, %bitcast3A_271 : vector<16xi32>
        %bitcast3A_273 = vector.bitcast %max3A_272 : vector<16xi32> to vector<16xi32>
        %gather3A_274 = tpu.vector_load_idx %arg6[%gather3A_250] : memref<100000xf32, #tpu.memory_space<vmem>>[vector<16xi32>], vector<16xf32>,
        %gather3A_275 = tpu.vector_load_idx %arg6[%bitcast3A_273] : memref<100000xf32, #tpu.memory_space<vmem>>[vector<16xi32>], vector<16xf32>,
        %sub3A_276 = arith.subf %gather3A_275, %gather3A_274 : vector<16xf32>
        %mul3A_277 = arith.mulf %sub3A_276, %sub3A_276 : vector<16xf32>
        %add3A_278 = arith.constant 9.99999997E-7 : f32
        %add3A_279 = vector.broadcast %add3A_278 : f32 to vector<16xf32>
        %add3A_280 = arith.addf %mul3A_277, %add3A_279 : vector<16xf32>
        %bitcast3A_281 = vector.bitcast %add3A_280 : vector<16xf32> to vector<16xi32>
        %shift_right_logical3A = arith.constant 1 : i32
        %shift_right_logical3A_282 = vector.broadcast %shift_right_logical3A : i32 to vector<16xi32>
        %shift_right_logical3A_283 = arith.shrui %bitcast3A_281, %shift_right_logical3A_282 : vector<16xi32>
        %sub3A_284 = arith.constant 1597463007 : i32
        %sub3A_285 = vector.broadcast %sub3A_284 : i32 to vector<16xi32>
        %sub3A_286 = arith.subi %sub3A_285, %shift_right_logical3A_283 : vector<16xi32>
        %bitcast3A_287 = vector.bitcast %sub3A_286 : vector<16xi32> to vector<16xf32>
        %mul3A_288 = arith.constant 5.000000e-01 : f32
        %mul3A_289 = vector.broadcast %mul3A_288 : f32 to vector<16xf32>
        %mul3A_290 = arith.mulf %mul3A_289, %add3A_280 : vector<16xf32>
        %mul3A_291 = arith.mulf %mul3A_290, %bitcast3A_287 : vector<16xf32>
        %mul3A_292 = arith.mulf %mul3A_291, %bitcast3A_287 : vector<16xf32>
        %sub3A_293 = arith.constant 1.500000e+00 : f32
        %sub3A_294 = vector.broadcast %sub3A_293 : f32 to vector<16xf32>
        %sub3A_295 = arith.subf %sub3A_294, %mul3A_292 : vector<16xf32>
        %mul3A_296 = arith.mulf %bitcast3A_287, %sub3A_295 : vector<16xf32>
        %mul3A_297 = arith.mulf %add3A_280, %mul3A_296 : vector<16xf32>
        %ge3A_298 = arith.cmpi sge, %add3A_244, %gather3A : vector<16xi32>
        %lt3A_299 = arith.cmpi slt, %add3A_244, %select_n3A : vector<16xi32>
        %and3A_300 = arith.andi %ge3A_298, %lt3A_299 : vector<16xi1>
        %sub3A_301 = arith.constant 1.000000e-03 : f32
        %sub3A_302 = vector.broadcast %sub3A_301 : f32 to vector<16xf32>
        %sub3A_303 = arith.subf %mul3A_297, %sub3A_302 : vector<16xf32>
        %jit3A_304 = arith.constant 0.000000e+00 : f32
        %broadcast_in_dim3A_305 = vector.broadcast %jit3A_304 : f32 to vector<16xf32>
        %select_n3A_306 = arith.select %and3A_300, %sub3A_303, %broadcast_in_dim3A_305 : vector<16xi1>, vector<16xf32>
        %add3A_307 = arith.addf %while3A_237, %select_n3A_306 : vector<16xf32>
        %all_reduce_population_count3A = tpu.all_reduce %lt3A_256 {dim = 0 : i64, kind = #tpu.reduction_kind<sum>} : vector<16xi1> -> vector<16xi32>
        %add3A_308 = arith.addi %while3A_236, %all_reduce_population_count3A : vector<16xi32>
        %mul3A_309 = arith.constant 64 : i32
        %mul3A_310 = arith.muli %while3A_235, %mul3A_309 : i32
        %add3A_311 = arith.constant 16 : i32
        %add3A_312 = arith.addi %mul3A_310, %add3A_311 : i32
        %add3A_313 = vector.broadcast %add3A_312 : i32 to vector<16xi32>
        %add3A_314 = arith.addi %add3A_160, %add3A_313 : vector<16xi32>
        %add3A_315 = arith.addi %add3A_314, %iota3A : vector<16xi32>
        %add3A_316 = arith.addi %add3A_223, %add3A_312 : i32
        %add3A_317 = vector.broadcast %add3A_316 : i32 to vector<16xi32>
        %add3A_318 = arith.addi %add3A_317, %iota3A : vector<16xi32>
        %min3A_319 = vector.broadcast %add3A_220 : i32 to vector<16xi32>
        %min3A_320 = arith.minsi %add3A_318, %min3A_319 : vector<16xi32>
        %gather3A_321 = tpu.vector_load_idx %arg10[%min3A_320] : memref<8192xi32, #tpu.memory_space<vmem>>[vector<16xi32>], vector<16xi32>,
        %add3A_322 = arith.addi %add3A_308, %iota3A : vector<16xi32>
        %gather3A_323 = tpu.vector_load_idx %arg8[%add3A_322] : memref<3152xi32, #tpu.memory_space<vmem>>[vector<16xi32>], vector<16xi32>,
        %gather3A_324 = tpu.vector_load_idx %arg9[%add3A_322] : memref<3152xi32, #tpu.memory_space<vmem>>[vector<16xi32>], vector<16xi32>,
        %sub3A_325 = arith.subi %gather3A_323, %add3A_314 : vector<16xi32>
        %bitcast3A_326 = vector.bitcast %sub3A_325 : vector<16xi32> to vector<16xi32>
        %lt3A_327 = arith.constant 16 : i32
        %lt3A_328 = vector.broadcast %lt3A_327 : i32 to vector<16xi32>
        %lt3A_329 = arith.cmpi ult, %bitcast3A_326, %lt3A_328 : vector<16xi32>
        %swap3A_330 = arith.constant 16 : index
        %swap3A_331 = tpu.vector_load %arg11[%swap3A_330] {strides = array<i32>} : memref<64xi32, #tpu.memory_space<vmem>>, vector<16xi32>,
        tpu.vector_store %arg11[%swap3A_330], %broadcast_in_dim3A_84 {strides = array<i32>} : memref<64xi32, #tpu.memory_space<vmem>>, vector<16xi32>,
        %scatter3A_332 = arith.constant 16 : i32
        %scatter3A_333 = tpu.memref_slice %arg11[%scatter3A_332] : memref<64xi32, #tpu.memory_space<vmem>> -> memref<16xi32, #tpu.memory_space<vmem>>
        tpu.vector_store_idx %scatter3A_333[%sub3A_325], %gather3A_324 masked %lt3A_329 : memref<16xi32, #tpu.memory_space<vmem>>[vector<16xi32>], vector<16xi32>, vector<16xi1>
        %sub3A_334 = arith.constant 1 : i32
        %sub3A_335 = vector.broadcast %sub3A_334 : i32 to vector<16xi32>
        %sub3A_336 = arith.subi %add3A_308, %sub3A_335 : vector<16xi32>
        %max3A_337 = arith.constant 0 : i32
        %max3A_338 = vector.broadcast %max3A_337 : i32 to vector<16xi32>
        %max3A_339 = arith.maxsi %sub3A_336, %max3A_338 : vector<16xi32>
        %gather3A_340 = tpu.vector_load_idx %arg9[%max3A_339] : memref<3152xi32, #tpu.memory_space<vmem>>[vector<16xi32>], vector<16xi32>,
        %get3A_341 = arith.constant 16 : index
        %get3A_342 = tpu.vector_load %arg11[%get3A_341] {strides = array<i32>} : memref<64xi32, #tpu.memory_space<vmem>>, vector<16xi32>,
        %bitcast3A_343 = vector.bitcast %get3A_342 : vector<16xi32> to vector<16xi32>
        %broadcast_in_dim3A_344 = arith.constant true
        %broadcast_in_dim3A_345 = vector.broadcast %broadcast_in_dim3A_344 : i1 to vector<16xi1>
        %masked_cummax3A_346 = tpu.scan <max>, %bitcast3A_343 masked %broadcast_in_dim3A_345 : vector<16xi32>, vector<16xi1> -> vector<16xi32>
        %bitcast3A_347 = vector.bitcast %gather3A_340 : vector<16xi32> to vector<16xi32>
        %max3A_348 = arith.maxui %masked_cummax3A_346, %bitcast3A_347 : vector<16xi32>
        %bitcast3A_349 = vector.bitcast %max3A_348 : vector<16xi32> to vector<16xi32>
        %gather3A_350 = tpu.vector_load_idx %arg6[%gather3A_321] : memref<100000xf32, #tpu.memory_space<vmem>>[vector<16xi32>], vector<16xf32>,
        %gather3A_351 = tpu.vector_load_idx %arg6[%bitcast3A_349] : memref<100000xf32, #tpu.memory_space<vmem>>[vector<16xi32>], vector<16xf32>,
        %sub3A_352 = arith.subf %gather3A_351, %gather3A_350 : vector<16xf32>
        %mul3A_353 = arith.mulf %sub3A_352, %sub3A_352 : vector<16xf32>
        %add3A_354 = arith.constant 9.99999997E-7 : f32
        %add3A_355 = vector.broadcast %add3A_354 : f32 to vector<16xf32>
        %add3A_356 = arith.addf %mul3A_353, %add3A_355 : vector<16xf32>
        %bitcast3A_357 = vector.bitcast %add3A_356 : vector<16xf32> to vector<16xi32>
        %shift_right_logical3A_358 = arith.constant 1 : i32
        %shift_right_logical3A_359 = vector.broadcast %shift_right_logical3A_358 : i32 to vector<16xi32>
        %shift_right_logical3A_360 = arith.shrui %bitcast3A_357, %shift_right_logical3A_359 : vector<16xi32>
        %sub3A_361 = arith.constant 1597463007 : i32
        %sub3A_362 = vector.broadcast %sub3A_361 : i32 to vector<16xi32>
        %sub3A_363 = arith.subi %sub3A_362, %shift_right_logical3A_360 : vector<16xi32>
        %bitcast3A_364 = vector.bitcast %sub3A_363 : vector<16xi32> to vector<16xf32>
        %mul3A_365 = arith.constant 5.000000e-01 : f32
        %mul3A_366 = vector.broadcast %mul3A_365 : f32 to vector<16xf32>
        %mul3A_367 = arith.mulf %mul3A_366, %add3A_356 : vector<16xf32>
        %mul3A_368 = arith.mulf %mul3A_367, %bitcast3A_364 : vector<16xf32>
        %mul3A_369 = arith.mulf %mul3A_368, %bitcast3A_364 : vector<16xf32>
        %sub3A_370 = arith.constant 1.500000e+00 : f32
        %sub3A_371 = vector.broadcast %sub3A_370 : f32 to vector<16xf32>
        %sub3A_372 = arith.subf %sub3A_371, %mul3A_369 : vector<16xf32>
        %mul3A_373 = arith.mulf %bitcast3A_364, %sub3A_372 : vector<16xf32>
        %mul3A_374 = arith.mulf %add3A_356, %mul3A_373 : vector<16xf32>
        %ge3A_375 = arith.cmpi sge, %add3A_315, %gather3A : vector<16xi32>
        %lt3A_376 = arith.cmpi slt, %add3A_315, %select_n3A : vector<16xi32>
        %and3A_377 = arith.andi %ge3A_375, %lt3A_376 : vector<16xi1>
        %sub3A_378 = arith.constant 1.000000e-03 : f32
        %sub3A_379 = vector.broadcast %sub3A_378 : f32 to vector<16xf32>
        %sub3A_380 = arith.subf %mul3A_374, %sub3A_379 : vector<16xf32>
        %jit3A_381 = arith.constant 0.000000e+00 : f32
        %broadcast_in_dim3A_382 = vector.broadcast %jit3A_381 : f32 to vector<16xf32>
        %select_n3A_383 = arith.select %and3A_377, %sub3A_380, %broadcast_in_dim3A_382 : vector<16xi1>, vector<16xf32>
        %add3A_384 = arith.addf %add3A_307, %select_n3A_383 : vector<16xf32>
        %all_reduce_population_count3A_385 = tpu.all_reduce %lt3A_329 {dim = 0 : i64, kind = #tpu.reduction_kind<sum>} : vector<16xi1> -> vector<16xi32>
        %add3A_386 = arith.addi %add3A_308, %all_reduce_population_count3A_385 : vector<16xi32>
        %mul3A_387 = arith.constant 64 : i32
        %mul3A_388 = arith.muli %while3A_235, %mul3A_387 : i32
        %add3A_389 = arith.constant 32 : i32
        %add3A_390 = arith.addi %mul3A_388, %add3A_389 : i32
        %add3A_391 = vector.broadcast %add3A_390 : i32 to vector<16xi32>
        %add3A_392 = arith.addi %add3A_160, %add3A_391 : vector<16xi32>
        %add3A_393 = arith.addi %add3A_392, %iota3A : vector<16xi32>
        %add3A_394 = arith.addi %add3A_223, %add3A_390 : i32
        %add3A_395 = vector.broadcast %add3A_394 : i32 to vector<16xi32>
        %add3A_396 = arith.addi %add3A_395, %iota3A : vector<16xi32>
        %min3A_397 = vector.broadcast %add3A_220 : i32 to vector<16xi32>
        %min3A_398 = arith.minsi %add3A_396, %min3A_397 : vector<16xi32>
        %gather3A_399 = tpu.vector_load_idx %arg10[%min3A_398] : memref<8192xi32, #tpu.memory_space<vmem>>[vector<16xi32>], vector<16xi32>,
        %add3A_400 = arith.addi %add3A_386, %iota3A : vector<16xi32>
        %gather3A_401 = tpu.vector_load_idx %arg8[%add3A_400] : memref<3152xi32, #tpu.memory_space<vmem>>[vector<16xi32>], vector<16xi32>,
        %gather3A_402 = tpu.vector_load_idx %arg9[%add3A_400] : memref<3152xi32, #tpu.memory_space<vmem>>[vector<16xi32>], vector<16xi32>,
        %sub3A_403 = arith.subi %gather3A_401, %add3A_392 : vector<16xi32>
        %bitcast3A_404 = vector.bitcast %sub3A_403 : vector<16xi32> to vector<16xi32>
        %lt3A_405 = arith.constant 16 : i32
        %lt3A_406 = vector.broadcast %lt3A_405 : i32 to vector<16xi32>
        %lt3A_407 = arith.cmpi ult, %bitcast3A_404, %lt3A_406 : vector<16xi32>
        %swap3A_408 = arith.constant 32 : index
        %swap3A_409 = tpu.vector_load %arg11[%swap3A_408] {strides = array<i32>} : memref<64xi32, #tpu.memory_space<vmem>>, vector<16xi32>,
        tpu.vector_store %arg11[%swap3A_408], %broadcast_in_dim3A_84 {strides = array<i32>} : memref<64xi32, #tpu.memory_space<vmem>>, vector<16xi32>,
        %scatter3A_410 = arith.constant 32 : i32
        %scatter3A_411 = tpu.memref_slice %arg11[%scatter3A_410] : memref<64xi32, #tpu.memory_space<vmem>> -> memref<16xi32, #tpu.memory_space<vmem>>
        tpu.vector_store_idx %scatter3A_411[%sub3A_403], %gather3A_402 masked %lt3A_407 : memref<16xi32, #tpu.memory_space<vmem>>[vector<16xi32>], vector<16xi32>, vector<16xi1>
        %sub3A_412 = arith.constant 1 : i32
        %sub3A_413 = vector.broadcast %sub3A_412 : i32 to vector<16xi32>
        %sub3A_414 = arith.subi %add3A_386, %sub3A_413 : vector<16xi32>
        %max3A_415 = arith.constant 0 : i32
        %max3A_416 = vector.broadcast %max3A_415 : i32 to vector<16xi32>
        %max3A_417 = arith.maxsi %sub3A_414, %max3A_416 : vector<16xi32>
        %gather3A_418 = tpu.vector_load_idx %arg9[%max3A_417] : memref<3152xi32, #tpu.memory_space<vmem>>[vector<16xi32>], vector<16xi32>,
        %get3A_419 = arith.constant 32 : index
        %get3A_420 = tpu.vector_load %arg11[%get3A_419] {strides = array<i32>} : memref<64xi32, #tpu.memory_space<vmem>>, vector<16xi32>,
        %bitcast3A_421 = vector.bitcast %get3A_420 : vector<16xi32> to vector<16xi32>
        %broadcast_in_dim3A_422 = arith.constant true
        %broadcast_in_dim3A_423 = vector.broadcast %broadcast_in_dim3A_422 : i1 to vector<16xi1>
        %masked_cummax3A_424 = tpu.scan <max>, %bitcast3A_421 masked %broadcast_in_dim3A_423 : vector<16xi32>, vector<16xi1> -> vector<16xi32>
        %bitcast3A_425 = vector.bitcast %gather3A_418 : vector<16xi32> to vector<16xi32>
        %max3A_426 = arith.maxui %masked_cummax3A_424, %bitcast3A_425 : vector<16xi32>
        %bitcast3A_427 = vector.bitcast %max3A_426 : vector<16xi32> to vector<16xi32>
        %gather3A_428 = tpu.vector_load_idx %arg6[%gather3A_399] : memref<100000xf32, #tpu.memory_space<vmem>>[vector<16xi32>], vector<16xf32>,
        %gather3A_429 = tpu.vector_load_idx %arg6[%bitcast3A_427] : memref<100000xf32, #tpu.memory_space<vmem>>[vector<16xi32>], vector<16xf32>,
        %sub3A_430 = arith.subf %gather3A_429, %gather3A_428 : vector<16xf32>
        %mul3A_431 = arith.mulf %sub3A_430, %sub3A_430 : vector<16xf32>
        %add3A_432 = arith.constant 9.99999997E-7 : f32
        %add3A_433 = vector.broadcast %add3A_432 : f32 to vector<16xf32>
        %add3A_434 = arith.addf %mul3A_431, %add3A_433 : vector<16xf32>
        %bitcast3A_435 = vector.bitcast %add3A_434 : vector<16xf32> to vector<16xi32>
        %shift_right_logical3A_436 = arith.constant 1 : i32
        %shift_right_logical3A_437 = vector.broadcast %shift_right_logical3A_436 : i32 to vector<16xi32>
        %shift_right_logical3A_438 = arith.shrui %bitcast3A_435, %shift_right_logical3A_437 : vector<16xi32>
        %sub3A_439 = arith.constant 1597463007 : i32
        %sub3A_440 = vector.broadcast %sub3A_439 : i32 to vector<16xi32>
        %sub3A_441 = arith.subi %sub3A_440, %shift_right_logical3A_438 : vector<16xi32>
        %bitcast3A_442 = vector.bitcast %sub3A_441 : vector<16xi32> to vector<16xf32>
        %mul3A_443 = arith.constant 5.000000e-01 : f32
        %mul3A_444 = vector.broadcast %mul3A_443 : f32 to vector<16xf32>
        %mul3A_445 = arith.mulf %mul3A_444, %add3A_434 : vector<16xf32>
        %mul3A_446 = arith.mulf %mul3A_445, %bitcast3A_442 : vector<16xf32>
        %mul3A_447 = arith.mulf %mul3A_446, %bitcast3A_442 : vector<16xf32>
        %sub3A_448 = arith.constant 1.500000e+00 : f32
        %sub3A_449 = vector.broadcast %sub3A_448 : f32 to vector<16xf32>
        %sub3A_450 = arith.subf %sub3A_449, %mul3A_447 : vector<16xf32>
        %mul3A_451 = arith.mulf %bitcast3A_442, %sub3A_450 : vector<16xf32>
        %mul3A_452 = arith.mulf %add3A_434, %mul3A_451 : vector<16xf32>
        %ge3A_453 = arith.cmpi sge, %add3A_393, %gather3A : vector<16xi32>
        %lt3A_454 = arith.cmpi slt, %add3A_393, %select_n3A : vector<16xi32>
        %and3A_455 = arith.andi %ge3A_453, %lt3A_454 : vector<16xi1>
        %sub3A_456 = arith.constant 1.000000e-03 : f32
        %sub3A_457 = vector.broadcast %sub3A_456 : f32 to vector<16xf32>
        %sub3A_458 = arith.subf %mul3A_452, %sub3A_457 : vector<16xf32>
        %jit3A_459 = arith.constant 0.000000e+00 : f32
        %broadcast_in_dim3A_460 = vector.broadcast %jit3A_459 : f32 to vector<16xf32>
        %select_n3A_461 = arith.select %and3A_455, %sub3A_458, %broadcast_in_dim3A_460 : vector<16xi1>, vector<16xf32>
        %add3A_462 = arith.addf %add3A_384, %select_n3A_461 : vector<16xf32>
        %all_reduce_population_count3A_463 = tpu.all_reduce %lt3A_407 {dim = 0 : i64, kind = #tpu.reduction_kind<sum>} : vector<16xi1> -> vector<16xi32>
        %add3A_464 = arith.addi %add3A_386, %all_reduce_population_count3A_463 : vector<16xi32>
        %mul3A_465 = arith.constant 64 : i32
        %mul3A_466 = arith.muli %while3A_235, %mul3A_465 : i32
        %add3A_467 = arith.constant 48 : i32
        %add3A_468 = arith.addi %mul3A_466, %add3A_467 : i32
        %add3A_469 = vector.broadcast %add3A_468 : i32 to vector<16xi32>
        %add3A_470 = arith.addi %add3A_160, %add3A_469 : vector<16xi32>
        %add3A_471 = arith.addi %add3A_470, %iota3A : vector<16xi32>
        %add3A_472 = arith.addi %add3A_223, %add3A_468 : i32
        %add3A_473 = vector.broadcast %add3A_472 : i32 to vector<16xi32>
        %add3A_474 = arith.addi %add3A_473, %iota3A : vector<16xi32>
        %min3A_475 = vector.broadcast %add3A_220 : i32 to vector<16xi32>
        %min3A_476 = arith.minsi %add3A_474, %min3A_475 : vector<16xi32>
        %gather3A_477 = tpu.vector_load_idx %arg10[%min3A_476] : memref<8192xi32, #tpu.memory_space<vmem>>[vector<16xi32>], vector<16xi32>,
        %add3A_478 = arith.addi %add3A_464, %iota3A : vector<16xi32>
        %gather3A_479 = tpu.vector_load_idx %arg8[%add3A_478] : memref<3152xi32, #tpu.memory_space<vmem>>[vector<16xi32>], vector<16xi32>,
        %gather3A_480 = tpu.vector_load_idx %arg9[%add3A_478] : memref<3152xi32, #tpu.memory_space<vmem>>[vector<16xi32>], vector<16xi32>,
        %sub3A_481 = arith.subi %gather3A_479, %add3A_470 : vector<16xi32>
        %bitcast3A_482 = vector.bitcast %sub3A_481 : vector<16xi32> to vector<16xi32>
        %lt3A_483 = arith.constant 16 : i32
        %lt3A_484 = vector.broadcast %lt3A_483 : i32 to vector<16xi32>
        %lt3A_485 = arith.cmpi ult, %bitcast3A_482, %lt3A_484 : vector<16xi32>
        %swap3A_486 = arith.constant 48 : index
        %swap3A_487 = tpu.vector_load %arg11[%swap3A_486] {strides = array<i32>} : memref<64xi32, #tpu.memory_space<vmem>>, vector<16xi32>,
        tpu.vector_store %arg11[%swap3A_486], %broadcast_in_dim3A_84 {strides = array<i32>} : memref<64xi32, #tpu.memory_space<vmem>>, vector<16xi32>,
        %scatter3A_488 = arith.constant 48 : i32
        %scatter3A_489 = tpu.memref_slice %arg11[%scatter3A_488] : memref<64xi32, #tpu.memory_space<vmem>> -> memref<16xi32, #tpu.memory_space<vmem>>
        tpu.vector_store_idx %scatter3A_489[%sub3A_481], %gather3A_480 masked %lt3A_485 : memref<16xi32, #tpu.memory_space<vmem>>[vector<16xi32>], vector<16xi32>, vector<16xi1>
        %sub3A_490 = arith.constant 1 : i32
        %sub3A_491 = vector.broadcast %sub3A_490 : i32 to vector<16xi32>
        %sub3A_492 = arith.subi %add3A_464, %sub3A_491 : vector<16xi32>
        %max3A_493 = arith.constant 0 : i32
        %max3A_494 = vector.broadcast %max3A_493 : i32 to vector<16xi32>
        %max3A_495 = arith.maxsi %sub3A_492, %max3A_494 : vector<16xi32>
        %gather3A_496 = tpu.vector_load_idx %arg9[%max3A_495] : memref<3152xi32, #tpu.memory_space<vmem>>[vector<16xi32>], vector<16xi32>,
        %get3A_497 = arith.constant 48 : index
        %get3A_498 = tpu.vector_load %arg11[%get3A_497] {strides = array<i32>} : memref<64xi32, #tpu.memory_space<vmem>>, vector<16xi32>,
        %bitcast3A_499 = vector.bitcast %get3A_498 : vector<16xi32> to vector<16xi32>
        %broadcast_in_dim3A_500 = arith.constant true
        %broadcast_in_dim3A_501 = vector.broadcast %broadcast_in_dim3A_500 : i1 to vector<16xi1>
        %masked_cummax3A_502 = tpu.scan <max>, %bitcast3A_499 masked %broadcast_in_dim3A_501 : vector<16xi32>, vector<16xi1> -> vector<16xi32>
        %bitcast3A_503 = vector.bitcast %gather3A_496 : vector<16xi32> to vector<16xi32>
        %max3A_504 = arith.maxui %masked_cummax3A_502, %bitcast3A_503 : vector<16xi32>
        %bitcast3A_505 = vector.bitcast %max3A_504 : vector<16xi32> to vector<16xi32>
        %gather3A_506 = tpu.vector_load_idx %arg6[%gather3A_477] : memref<100000xf32, #tpu.memory_space<vmem>>[vector<16xi32>], vector<16xf32>,
        %gather3A_507 = tpu.vector_load_idx %arg6[%bitcast3A_505] : memref<100000xf32, #tpu.memory_space<vmem>>[vector<16xi32>], vector<16xf32>,
        %sub3A_508 = arith.subf %gather3A_507, %gather3A_506 : vector<16xf32>
        %mul3A_509 = arith.mulf %sub3A_508, %sub3A_508 : vector<16xf32>
        %add3A_510 = arith.constant 9.99999997E-7 : f32
        %add3A_511 = vector.broadcast %add3A_510 : f32 to vector<16xf32>
        %add3A_512 = arith.addf %mul3A_509, %add3A_511 : vector<16xf32>
        %bitcast3A_513 = vector.bitcast %add3A_512 : vector<16xf32> to vector<16xi32>
        %shift_right_logical3A_514 = arith.constant 1 : i32
        %shift_right_logical3A_515 = vector.broadcast %shift_right_logical3A_514 : i32 to vector<16xi32>
        %shift_right_logical3A_516 = arith.shrui %bitcast3A_513, %shift_right_logical3A_515 : vector<16xi32>
        %sub3A_517 = arith.constant 1597463007 : i32
        %sub3A_518 = vector.broadcast %sub3A_517 : i32 to vector<16xi32>
        %sub3A_519 = arith.subi %sub3A_518, %shift_right_logical3A_516 : vector<16xi32>
        %bitcast3A_520 = vector.bitcast %sub3A_519 : vector<16xi32> to vector<16xf32>
        %mul3A_521 = arith.constant 5.000000e-01 : f32
        %mul3A_522 = vector.broadcast %mul3A_521 : f32 to vector<16xf32>
        %mul3A_523 = arith.mulf %mul3A_522, %add3A_512 : vector<16xf32>
        %mul3A_524 = arith.mulf %mul3A_523, %bitcast3A_520 : vector<16xf32>
        %mul3A_525 = arith.mulf %mul3A_524, %bitcast3A_520 : vector<16xf32>
        %sub3A_526 = arith.constant 1.500000e+00 : f32
        %sub3A_527 = vector.broadcast %sub3A_526 : f32 to vector<16xf32>
        %sub3A_528 = arith.subf %sub3A_527, %mul3A_525 : vector<16xf32>
        %mul3A_529 = arith.mulf %bitcast3A_520, %sub3A_528 : vector<16xf32>
        %mul3A_530 = arith.mulf %add3A_512, %mul3A_529 : vector<16xf32>
        %ge3A_531 = arith.cmpi sge, %add3A_471, %gather3A : vector<16xi32>
        %lt3A_532 = arith.cmpi slt, %add3A_471, %select_n3A : vector<16xi32>
        %and3A_533 = arith.andi %ge3A_531, %lt3A_532 : vector<16xi1>
        %sub3A_534 = arith.constant 1.000000e-03 : f32
        %sub3A_535 = vector.broadcast %sub3A_534 : f32 to vector<16xf32>
        %sub3A_536 = arith.subf %mul3A_530, %sub3A_535 : vector<16xf32>
        %jit3A_537 = arith.constant 0.000000e+00 : f32
        %broadcast_in_dim3A_538 = vector.broadcast %jit3A_537 : f32 to vector<16xf32>
        %select_n3A_539 = arith.select %and3A_533, %sub3A_536, %broadcast_in_dim3A_538 : vector<16xi1>, vector<16xf32>
        %add3A_540 = arith.addf %add3A_462, %select_n3A_539 : vector<16xf32>
        %all_reduce_population_count3A_541 = tpu.all_reduce %lt3A_485 {dim = 0 : i64, kind = #tpu.reduction_kind<sum>} : vector<16xi1> -> vector<16xi32>
        %add3A_542 = arith.addi %add3A_464, %all_reduce_population_count3A_541 : vector<16xi32>
        scf.yield %add3A_542, %add3A_540 : vector<16xi32>, vector<16xf32>
      }
      %while3A_233 = arith.constant 1 : i32
      %while3A_234:2 = scf.for %while3A_235 = %while3A_230 to %while3A_226 step %while3A_233 iter_args(%while3A_236 = %while3A_232#0, %while3A_237 = %while3A_232#1) -> (vector<16xi32>, vector<16xf32>)  : i32 {
        %mul3A_238 = arith.constant 64 : i32
        %mul3A_239 = arith.muli %while3A_235, %mul3A_238 : i32
        %add3A_240 = arith.constant 0 : i32
        %add3A_241 = arith.addi %mul3A_239, %add3A_240 : i32
        %add3A_242 = vector.broadcast %add3A_241 : i32 to vector<16xi32>
        %add3A_243 = arith.addi %add3A_160, %add3A_242 : vector<16xi32>
        %add3A_244 = arith.addi %add3A_243, %iota3A : vector<16xi32>
        %add3A_245 = arith.addi %add3A_223, %add3A_241 : i32
        %add3A_246 = vector.broadcast %add3A_245 : i32 to vector<16xi32>
        %add3A_247 = arith.addi %add3A_246, %iota3A : vector<16xi32>
        %min3A_248 = vector.broadcast %add3A_220 : i32 to vector<16xi32>
        %min3A_249 = arith.minsi %add3A_247, %min3A_248 : vector<16xi32>
        %gather3A_250 = tpu.vector_load_idx %arg10[%min3A_249] : memref<8192xi32, #tpu.memory_space<vmem>>[vector<16xi32>], vector<16xi32>,
        %add3A_251 = arith.addi %while3A_236, %iota3A : vector<16xi32>
        %gather3A_252 = tpu.vector_load_idx %arg8[%add3A_251] : memref<3152xi32, #tpu.memory_space<vmem>>[vector<16xi32>], vector<16xi32>,
        %gather3A_253 = tpu.vector_load_idx %arg9[%add3A_251] : memref<3152xi32, #tpu.memory_space<vmem>>[vector<16xi32>], vector<16xi32>,
        %sub3A_254 = arith.subi %gather3A_252, %add3A_243 : vector<16xi32>
        %bitcast3A = vector.bitcast %sub3A_254 : vector<16xi32> to vector<16xi32>
        %lt3A = arith.constant 16 : i32
        %lt3A_255 = vector.broadcast %lt3A : i32 to vector<16xi32>
        %lt3A_256 = arith.cmpi ult, %bitcast3A, %lt3A_255 : vector<16xi32>
        %swap3A_257 = arith.constant 0 : index
        %swap3A_258 = tpu.vector_load %arg11[%swap3A_257] {strides = array<i32>} : memref<64xi32, #tpu.memory_space<vmem>>, vector<16xi32>,
        tpu.vector_store %arg11[%swap3A_257], %broadcast_in_dim3A_84 {strides = array<i32>} : memref<64xi32, #tpu.memory_space<vmem>>, vector<16xi32>,
        %scatter3A = arith.constant 0 : i32
        %scatter3A_259 = tpu.memref_slice %arg11[%scatter3A] : memref<64xi32, #tpu.memory_space<vmem>> -> memref<16xi32, #tpu.memory_space<vmem>>
        tpu.vector_store_idx %scatter3A_259[%sub3A_254], %gather3A_253 masked %lt3A_256 : memref<16xi32, #tpu.memory_space<vmem>>[vector<16xi32>], vector<16xi32>, vector<16xi1>
        %sub3A_260 = arith.constant 1 : i32
        %sub3A_261 = vector.broadcast %sub3A_260 : i32 to vector<16xi32>
        %sub3A_262 = arith.subi %while3A_236, %sub3A_261 : vector<16xi32>
        %max3A_263 = arith.constant 0 : i32
        %max3A_264 = vector.broadcast %max3A_263 : i32 to vector<16xi32>
        %max3A_265 = arith.maxsi %sub3A_262, %max3A_264 : vector<16xi32>
        %gather3A_266 = tpu.vector_load_idx %arg9[%max3A_265] : memref<3152xi32, #tpu.memory_space<vmem>>[vector<16xi32>], vector<16xi32>,
        %get3A = arith.constant 0 : index
        %get3A_267 = tpu.vector_load %arg11[%get3A] {strides = array<i32>} : memref<64xi32, #tpu.memory_space<vmem>>, vector<16xi32>,
        %bitcast3A_268 = vector.bitcast %get3A_267 : vector<16xi32> to vector<16xi32>
        %broadcast_in_dim3A_269 = arith.constant true
        %broadcast_in_dim3A_270 = vector.broadcast %broadcast_in_dim3A_269 : i1 to vector<16xi1>
        %masked_cummax3A = tpu.scan <max>, %bitcast3A_268 masked %broadcast_in_dim3A_270 : vector<16xi32>, vector<16xi1> -> vector<16xi32>
        %bitcast3A_271 = vector.bitcast %gather3A_266 : vector<16xi32> to vector<16xi32>
        %max3A_272 = arith.maxui %masked_cummax3A, %bitcast3A_271 : vector<16xi32>
        %bitcast3A_273 = vector.bitcast %max3A_272 : vector<16xi32> to vector<16xi32>
        %gather3A_274 = tpu.vector_load_idx %arg6[%gather3A_250] : memref<100000xf32, #tpu.memory_space<vmem>>[vector<16xi32>], vector<16xf32>,
        %gather3A_275 = tpu.vector_load_idx %arg6[%bitcast3A_273] : memref<100000xf32, #tpu.memory_space<vmem>>[vector<16xi32>], vector<16xf32>,
        %sub3A_276 = arith.subf %gather3A_275, %gather3A_274 : vector<16xf32>
        %mul3A_277 = arith.mulf %sub3A_276, %sub3A_276 : vector<16xf32>
        %add3A_278 = arith.constant 9.99999997E-7 : f32
        %add3A_279 = vector.broadcast %add3A_278 : f32 to vector<16xf32>
        %add3A_280 = arith.addf %mul3A_277, %add3A_279 : vector<16xf32>
        %bitcast3A_281 = vector.bitcast %add3A_280 : vector<16xf32> to vector<16xi32>
        %shift_right_logical3A = arith.constant 1 : i32
        %shift_right_logical3A_282 = vector.broadcast %shift_right_logical3A : i32 to vector<16xi32>
        %shift_right_logical3A_283 = arith.shrui %bitcast3A_281, %shift_right_logical3A_282 : vector<16xi32>
        %sub3A_284 = arith.constant 1597463007 : i32
        %sub3A_285 = vector.broadcast %sub3A_284 : i32 to vector<16xi32>
        %sub3A_286 = arith.subi %sub3A_285, %shift_right_logical3A_283 : vector<16xi32>
        %bitcast3A_287 = vector.bitcast %sub3A_286 : vector<16xi32> to vector<16xf32>
        %mul3A_288 = arith.constant 5.000000e-01 : f32
        %mul3A_289 = vector.broadcast %mul3A_288 : f32 to vector<16xf32>
        %mul3A_290 = arith.mulf %mul3A_289, %add3A_280 : vector<16xf32>
        %mul3A_291 = arith.mulf %mul3A_290, %bitcast3A_287 : vector<16xf32>
        %mul3A_292 = arith.mulf %mul3A_291, %bitcast3A_287 : vector<16xf32>
        %sub3A_293 = arith.constant 1.500000e+00 : f32
        %sub3A_294 = vector.broadcast %sub3A_293 : f32 to vector<16xf32>
        %sub3A_295 = arith.subf %sub3A_294, %mul3A_292 : vector<16xf32>
        %mul3A_296 = arith.mulf %bitcast3A_287, %sub3A_295 : vector<16xf32>
        %mul3A_297 = arith.mulf %add3A_280, %mul3A_296 : vector<16xf32>
        %ge3A_298 = arith.cmpi sge, %add3A_244, %gather3A : vector<16xi32>
        %lt3A_299 = arith.cmpi slt, %add3A_244, %select_n3A : vector<16xi32>
        %and3A_300 = arith.andi %ge3A_298, %lt3A_299 : vector<16xi1>
        %sub3A_301 = arith.constant 1.000000e-03 : f32
        %sub3A_302 = vector.broadcast %sub3A_301 : f32 to vector<16xf32>
        %sub3A_303 = arith.subf %mul3A_297, %sub3A_302 : vector<16xf32>
        %jit3A_304 = arith.constant 0.000000e+00 : f32
        %broadcast_in_dim3A_305 = vector.broadcast %jit3A_304 : f32 to vector<16xf32>
        %select_n3A_306 = arith.select %and3A_300, %sub3A_303, %broadcast_in_dim3A_305 : vector<16xi1>, vector<16xf32>
        %add3A_307 = arith.addf %while3A_237, %select_n3A_306 : vector<16xf32>
        %all_reduce_population_count3A = tpu.all_reduce %lt3A_256 {dim = 0 : i64, kind = #tpu.reduction_kind<sum>} : vector<16xi1> -> vector<16xi32>
        %add3A_308 = arith.addi %while3A_236, %all_reduce_population_count3A : vector<16xi32>
        %mul3A_309 = arith.constant 64 : i32
        %mul3A_310 = arith.muli %while3A_235, %mul3A_309 : i32
        %add3A_311 = arith.constant 16 : i32
        %add3A_312 = arith.addi %mul3A_310, %add3A_311 : i32
        %add3A_313 = vector.broadcast %add3A_312 : i32 to vector<16xi32>
        %add3A_314 = arith.addi %add3A_160, %add3A_313 : vector<16xi32>
        %add3A_315 = arith.addi %add3A_314, %iota3A : vector<16xi32>
        %add3A_316 = arith.addi %add3A_223, %add3A_312 : i32
        %add3A_317 = vector.broadcast %add3A_316 : i32 to vector<16xi32>
        %add3A_318 = arith.addi %add3A_317, %iota3A : vector<16xi32>
        %min3A_319 = vector.broadcast %add3A_220 : i32 to vector<16xi32>
        %min3A_320 = arith.minsi %add3A_318, %min3A_319 : vector<16xi32>
        %gather3A_321 = tpu.vector_load_idx %arg10[%min3A_320] : memref<8192xi32, #tpu.memory_space<vmem>>[vector<16xi32>], vector<16xi32>,
        %add3A_322 = arith.addi %add3A_308, %iota3A : vector<16xi32>
        %gather3A_323 = tpu.vector_load_idx %arg8[%add3A_322] : memref<3152xi32, #tpu.memory_space<vmem>>[vector<16xi32>], vector<16xi32>,
        %gather3A_324 = tpu.vector_load_idx %arg9[%add3A_322] : memref<3152xi32, #tpu.memory_space<vmem>>[vector<16xi32>], vector<16xi32>,
        %sub3A_325 = arith.subi %gather3A_323, %add3A_314 : vector<16xi32>
        %bitcast3A_326 = vector.bitcast %sub3A_325 : vector<16xi32> to vector<16xi32>
        %lt3A_327 = arith.constant 16 : i32
        %lt3A_328 = vector.broadcast %lt3A_327 : i32 to vector<16xi32>
        %lt3A_329 = arith.cmpi ult, %bitcast3A_326, %lt3A_328 : vector<16xi32>
        %swap3A_330 = arith.constant 16 : index
        %swap3A_331 = tpu.vector_load %arg11[%swap3A_330] {strides = array<i32>} : memref<64xi32, #tpu.memory_space<vmem>>, vector<16xi32>,
        tpu.vector_store %arg11[%swap3A_330], %broadcast_in_dim3A_84 {strides = array<i32>} : memref<64xi32, #tpu.memory_space<vmem>>, vector<16xi32>,
        %scatter3A_332 = arith.constant 16 : i32
        %scatter3A_333 = tpu.memref_slice %arg11[%scatter3A_332] : memref<64xi32, #tpu.memory_space<vmem>> -> memref<16xi32, #tpu.memory_space<vmem>>
        tpu.vector_store_idx %scatter3A_333[%sub3A_325], %gather3A_324 masked %lt3A_329 : memref<16xi32, #tpu.memory_space<vmem>>[vector<16xi32>], vector<16xi32>, vector<16xi1>
        %sub3A_334 = arith.constant 1 : i32
        %sub3A_335 = vector.broadcast %sub3A_334 : i32 to vector<16xi32>
        %sub3A_336 = arith.subi %add3A_308, %sub3A_335 : vector<16xi32>
        %max3A_337 = arith.constant 0 : i32
        %max3A_338 = vector.broadcast %max3A_337 : i32 to vector<16xi32>
        %max3A_339 = arith.maxsi %sub3A_336, %max3A_338 : vector<16xi32>
        %gather3A_340 = tpu.vector_load_idx %arg9[%max3A_339] : memref<3152xi32, #tpu.memory_space<vmem>>[vector<16xi32>], vector<16xi32>,
        %get3A_341 = arith.constant 16 : index
        %get3A_342 = tpu.vector_load %arg11[%get3A_341] {strides = array<i32>} : memref<64xi32, #tpu.memory_space<vmem>>, vector<16xi32>,
        %bitcast3A_343 = vector.bitcast %get3A_342 : vector<16xi32> to vector<16xi32>
        %broadcast_in_dim3A_344 = arith.constant true
        %broadcast_in_dim3A_345 = vector.broadcast %broadcast_in_dim3A_344 : i1 to vector<16xi1>
        %masked_cummax3A_346 = tpu.scan <max>, %bitcast3A_343 masked %broadcast_in_dim3A_345 : vector<16xi32>, vector<16xi1> -> vector<16xi32>
        %bitcast3A_347 = vector.bitcast %gather3A_340 : vector<16xi32> to vector<16xi32>
        %max3A_348 = arith.maxui %masked_cummax3A_346, %bitcast3A_347 : vector<16xi32>
        %bitcast3A_349 = vector.bitcast %max3A_348 : vector<16xi32> to vector<16xi32>
        %gather3A_350 = tpu.vector_load_idx %arg6[%gather3A_321] : memref<100000xf32, #tpu.memory_space<vmem>>[vector<16xi32>], vector<16xf32>,
        %gather3A_351 = tpu.vector_load_idx %arg6[%bitcast3A_349] : memref<100000xf32, #tpu.memory_space<vmem>>[vector<16xi32>], vector<16xf32>,
        %sub3A_352 = arith.subf %gather3A_351, %gather3A_350 : vector<16xf32>
        %mul3A_353 = arith.mulf %sub3A_352, %sub3A_352 : vector<16xf32>
        %add3A_354 = arith.constant 9.99999997E-7 : f32
        %add3A_355 = vector.broadcast %add3A_354 : f32 to vector<16xf32>
        %add3A_356 = arith.addf %mul3A_353, %add3A_355 : vector<16xf32>
        %bitcast3A_357 = vector.bitcast %add3A_356 : vector<16xf32> to vector<16xi32>
        %shift_right_logical3A_358 = arith.constant 1 : i32
        %shift_right_logical3A_359 = vector.broadcast %shift_right_logical3A_358 : i32 to vector<16xi32>
        %shift_right_logical3A_360 = arith.shrui %bitcast3A_357, %shift_right_logical3A_359 : vector<16xi32>
        %sub3A_361 = arith.constant 1597463007 : i32
        %sub3A_362 = vector.broadcast %sub3A_361 : i32 to vector<16xi32>
        %sub3A_363 = arith.subi %sub3A_362, %shift_right_logical3A_360 : vector<16xi32>
        %bitcast3A_364 = vector.bitcast %sub3A_363 : vector<16xi32> to vector<16xf32>
        %mul3A_365 = arith.constant 5.000000e-01 : f32
        %mul3A_366 = vector.broadcast %mul3A_365 : f32 to vector<16xf32>
        %mul3A_367 = arith.mulf %mul3A_366, %add3A_356 : vector<16xf32>
        %mul3A_368 = arith.mulf %mul3A_367, %bitcast3A_364 : vector<16xf32>
        %mul3A_369 = arith.mulf %mul3A_368, %bitcast3A_364 : vector<16xf32>
        %sub3A_370 = arith.constant 1.500000e+00 : f32
        %sub3A_371 = vector.broadcast %sub3A_370 : f32 to vector<16xf32>
        %sub3A_372 = arith.subf %sub3A_371, %mul3A_369 : vector<16xf32>
        %mul3A_373 = arith.mulf %bitcast3A_364, %sub3A_372 : vector<16xf32>
        %mul3A_374 = arith.mulf %add3A_356, %mul3A_373 : vector<16xf32>
        %ge3A_375 = arith.cmpi sge, %add3A_315, %gather3A : vector<16xi32>
        %lt3A_376 = arith.cmpi slt, %add3A_315, %select_n3A : vector<16xi32>
        %and3A_377 = arith.andi %ge3A_375, %lt3A_376 : vector<16xi1>
        %sub3A_378 = arith.constant 1.000000e-03 : f32
        %sub3A_379 = vector.broadcast %sub3A_378 : f32 to vector<16xf32>
        %sub3A_380 = arith.subf %mul3A_374, %sub3A_379 : vector<16xf32>
        %jit3A_381 = arith.constant 0.000000e+00 : f32
        %broadcast_in_dim3A_382 = vector.broadcast %jit3A_381 : f32 to vector<16xf32>
        %select_n3A_383 = arith.select %and3A_377, %sub3A_380, %broadcast_in_dim3A_382 : vector<16xi1>, vector<16xf32>
        %add3A_384 = arith.addf %add3A_307, %select_n3A_383 : vector<16xf32>
        %all_reduce_population_count3A_385 = tpu.all_reduce %lt3A_329 {dim = 0 : i64, kind = #tpu.reduction_kind<sum>} : vector<16xi1> -> vector<16xi32>
        %add3A_386 = arith.addi %add3A_308, %all_reduce_population_count3A_385 : vector<16xi32>
        %mul3A_387 = arith.constant 64 : i32
        %mul3A_388 = arith.muli %while3A_235, %mul3A_387 : i32
        %add3A_389 = arith.constant 32 : i32
        %add3A_390 = arith.addi %mul3A_388, %add3A_389 : i32
        %add3A_391 = vector.broadcast %add3A_390 : i32 to vector<16xi32>
        %add3A_392 = arith.addi %add3A_160, %add3A_391 : vector<16xi32>
        %add3A_393 = arith.addi %add3A_392, %iota3A : vector<16xi32>
        %add3A_394 = arith.addi %add3A_223, %add3A_390 : i32
        %add3A_395 = vector.broadcast %add3A_394 : i32 to vector<16xi32>
        %add3A_396 = arith.addi %add3A_395, %iota3A : vector<16xi32>
        %min3A_397 = vector.broadcast %add3A_220 : i32 to vector<16xi32>
        %min3A_398 = arith.minsi %add3A_396, %min3A_397 : vector<16xi32>
        %gather3A_399 = tpu.vector_load_idx %arg10[%min3A_398] : memref<8192xi32, #tpu.memory_space<vmem>>[vector<16xi32>], vector<16xi32>,
        %add3A_400 = arith.addi %add3A_386, %iota3A : vector<16xi32>
        %gather3A_401 = tpu.vector_load_idx %arg8[%add3A_400] : memref<3152xi32, #tpu.memory_space<vmem>>[vector<16xi32>], vector<16xi32>,
        %gather3A_402 = tpu.vector_load_idx %arg9[%add3A_400] : memref<3152xi32, #tpu.memory_space<vmem>>[vector<16xi32>], vector<16xi32>,
        %sub3A_403 = arith.subi %gather3A_401, %add3A_392 : vector<16xi32>
        %bitcast3A_404 = vector.bitcast %sub3A_403 : vector<16xi32> to vector<16xi32>
        %lt3A_405 = arith.constant 16 : i32
        %lt3A_406 = vector.broadcast %lt3A_405 : i32 to vector<16xi32>
        %lt3A_407 = arith.cmpi ult, %bitcast3A_404, %lt3A_406 : vector<16xi32>
        %swap3A_408 = arith.constant 32 : index
        %swap3A_409 = tpu.vector_load %arg11[%swap3A_408] {strides = array<i32>} : memref<64xi32, #tpu.memory_space<vmem>>, vector<16xi32>,
        tpu.vector_store %arg11[%swap3A_408], %broadcast_in_dim3A_84 {strides = array<i32>} : memref<64xi32, #tpu.memory_space<vmem>>, vector<16xi32>,
        %scatter3A_410 = arith.constant 32 : i32
        %scatter3A_411 = tpu.memref_slice %arg11[%scatter3A_410] : memref<64xi32, #tpu.memory_space<vmem>> -> memref<16xi32, #tpu.memory_space<vmem>>
        tpu.vector_store_idx %scatter3A_411[%sub3A_403], %gather3A_402 masked %lt3A_407 : memref<16xi32, #tpu.memory_space<vmem>>[vector<16xi32>], vector<16xi32>, vector<16xi1>
        %sub3A_412 = arith.constant 1 : i32
        %sub3A_413 = vector.broadcast %sub3A_412 : i32 to vector<16xi32>
        %sub3A_414 = arith.subi %add3A_386, %sub3A_413 : vector<16xi32>
        %max3A_415 = arith.constant 0 : i32
        %max3A_416 = vector.broadcast %max3A_415 : i32 to vector<16xi32>
        %max3A_417 = arith.maxsi %sub3A_414, %max3A_416 : vector<16xi32>
        %gather3A_418 = tpu.vector_load_idx %arg9[%max3A_417] : memref<3152xi32, #tpu.memory_space<vmem>>[vector<16xi32>], vector<16xi32>,
        %get3A_419 = arith.constant 32 : index
        %get3A_420 = tpu.vector_load %arg11[%get3A_419] {strides = array<i32>} : memref<64xi32, #tpu.memory_space<vmem>>, vector<16xi32>,
        %bitcast3A_421 = vector.bitcast %get3A_420 : vector<16xi32> to vector<16xi32>
        %broadcast_in_dim3A_422 = arith.constant true
        %broadcast_in_dim3A_423 = vector.broadcast %broadcast_in_dim3A_422 : i1 to vector<16xi1>
        %masked_cummax3A_424 = tpu.scan <max>, %bitcast3A_421 masked %broadcast_in_dim3A_423 : vector<16xi32>, vector<16xi1> -> vector<16xi32>
        %bitcast3A_425 = vector.bitcast %gather3A_418 : vector<16xi32> to vector<16xi32>
        %max3A_426 = arith.maxui %masked_cummax3A_424, %bitcast3A_425 : vector<16xi32>
        %bitcast3A_427 = vector.bitcast %max3A_426 : vector<16xi32> to vector<16xi32>
        %gather3A_428 = tpu.vector_load_idx %arg6[%gather3A_399] : memref<100000xf32, #tpu.memory_space<vmem>>[vector<16xi32>], vector<16xf32>,
        %gather3A_429 = tpu.vector_load_idx %arg6[%bitcast3A_427] : memref<100000xf32, #tpu.memory_space<vmem>>[vector<16xi32>], vector<16xf32>,
        %sub3A_430 = arith.subf %gather3A_429, %gather3A_428 : vector<16xf32>
        %mul3A_431 = arith.mulf %sub3A_430, %sub3A_430 : vector<16xf32>
        %add3A_432 = arith.constant 9.99999997E-7 : f32
        %add3A_433 = vector.broadcast %add3A_432 : f32 to vector<16xf32>
        %add3A_434 = arith.addf %mul3A_431, %add3A_433 : vector<16xf32>
        %bitcast3A_435 = vector.bitcast %add3A_434 : vector<16xf32> to vector<16xi32>
        %shift_right_logical3A_436 = arith.constant 1 : i32
        %shift_right_logical3A_437 = vector.broadcast %shift_right_logical3A_436 : i32 to vector<16xi32>
        %shift_right_logical3A_438 = arith.shrui %bitcast3A_435, %shift_right_logical3A_437 : vector<16xi32>
        %sub3A_439 = arith.constant 1597463007 : i32
        %sub3A_440 = vector.broadcast %sub3A_439 : i32 to vector<16xi32>
        %sub3A_441 = arith.subi %sub3A_440, %shift_right_logical3A_438 : vector<16xi32>
        %bitcast3A_442 = vector.bitcast %sub3A_441 : vector<16xi32> to vector<16xf32>
        %mul3A_443 = arith.constant 5.000000e-01 : f32
        %mul3A_444 = vector.broadcast %mul3A_443 : f32 to vector<16xf32>
        %mul3A_445 = arith.mulf %mul3A_444, %add3A_434 : vector<16xf32>
        %mul3A_446 = arith.mulf %mul3A_445, %bitcast3A_442 : vector<16xf32>
        %mul3A_447 = arith.mulf %mul3A_446, %bitcast3A_442 : vector<16xf32>
        %sub3A_448 = arith.constant 1.500000e+00 : f32
        %sub3A_449 = vector.broadcast %sub3A_448 : f32 to vector<16xf32>
        %sub3A_450 = arith.subf %sub3A_449, %mul3A_447 : vector<16xf32>
        %mul3A_451 = arith.mulf %bitcast3A_442, %sub3A_450 : vector<16xf32>
        %mul3A_452 = arith.mulf %add3A_434, %mul3A_451 : vector<16xf32>
        %ge3A_453 = arith.cmpi sge, %add3A_393, %gather3A : vector<16xi32>
        %lt3A_454 = arith.cmpi slt, %add3A_393, %select_n3A : vector<16xi32>
        %and3A_455 = arith.andi %ge3A_453, %lt3A_454 : vector<16xi1>
        %sub3A_456 = arith.constant 1.000000e-03 : f32
        %sub3A_457 = vector.broadcast %sub3A_456 : f32 to vector<16xf32>
        %sub3A_458 = arith.subf %mul3A_452, %sub3A_457 : vector<16xf32>
        %jit3A_459 = arith.constant 0.000000e+00 : f32
        %broadcast_in_dim3A_460 = vector.broadcast %jit3A_459 : f32 to vector<16xf32>
        %select_n3A_461 = arith.select %and3A_455, %sub3A_458, %broadcast_in_dim3A_460 : vector<16xi1>, vector<16xf32>
        %add3A_462 = arith.addf %add3A_384, %select_n3A_461 : vector<16xf32>
        %all_reduce_population_count3A_463 = tpu.all_reduce %lt3A_407 {dim = 0 : i64, kind = #tpu.reduction_kind<sum>} : vector<16xi1> -> vector<16xi32>
        %add3A_464 = arith.addi %add3A_386, %all_reduce_population_count3A_463 : vector<16xi32>
        %mul3A_465 = arith.constant 64 : i32
        %mul3A_466 = arith.muli %while3A_235, %mul3A_465 : i32
        %add3A_467 = arith.constant 48 : i32
        %add3A_468 = arith.addi %mul3A_466, %add3A_467 : i32
        %add3A_469 = vector.broadcast %add3A_468 : i32 to vector<16xi32>
        %add3A_470 = arith.addi %add3A_160, %add3A_469 : vector<16xi32>
        %add3A_471 = arith.addi %add3A_470, %iota3A : vector<16xi32>
        %add3A_472 = arith.addi %add3A_223, %add3A_468 : i32
        %add3A_473 = vector.broadcast %add3A_472 : i32 to vector<16xi32>
        %add3A_474 = arith.addi %add3A_473, %iota3A : vector<16xi32>
        %min3A_475 = vector.broadcast %add3A_220 : i32 to vector<16xi32>
        %min3A_476 = arith.minsi %add3A_474, %min3A_475 : vector<16xi32>
        %gather3A_477 = tpu.vector_load_idx %arg10[%min3A_476] : memref<8192xi32, #tpu.memory_space<vmem>>[vector<16xi32>], vector<16xi32>,
        %add3A_478 = arith.addi %add3A_464, %iota3A : vector<16xi32>
        %gather3A_479 = tpu.vector_load_idx %arg8[%add3A_478] : memref<3152xi32, #tpu.memory_space<vmem>>[vector<16xi32>], vector<16xi32>,
        %gather3A_480 = tpu.vector_load_idx %arg9[%add3A_478] : memref<3152xi32, #tpu.memory_space<vmem>>[vector<16xi32>], vector<16xi32>,
        %sub3A_481 = arith.subi %gather3A_479, %add3A_470 : vector<16xi32>
        %bitcast3A_482 = vector.bitcast %sub3A_481 : vector<16xi32> to vector<16xi32>
        %lt3A_483 = arith.constant 16 : i32
        %lt3A_484 = vector.broadcast %lt3A_483 : i32 to vector<16xi32>
        %lt3A_485 = arith.cmpi ult, %bitcast3A_482, %lt3A_484 : vector<16xi32>
        %swap3A_486 = arith.constant 48 : index
        %swap3A_487 = tpu.vector_load %arg11[%swap3A_486] {strides = array<i32>} : memref<64xi32, #tpu.memory_space<vmem>>, vector<16xi32>,
        tpu.vector_store %arg11[%swap3A_486], %broadcast_in_dim3A_84 {strides = array<i32>} : memref<64xi32, #tpu.memory_space<vmem>>, vector<16xi32>,
        %scatter3A_488 = arith.constant 48 : i32
        %scatter3A_489 = tpu.memref_slice %arg11[%scatter3A_488] : memref<64xi32, #tpu.memory_space<vmem>> -> memref<16xi32, #tpu.memory_space<vmem>>
        tpu.vector_store_idx %scatter3A_489[%sub3A_481], %gather3A_480 masked %lt3A_485 : memref<16xi32, #tpu.memory_space<vmem>>[vector<16xi32>], vector<16xi32>, vector<16xi1>
        %sub3A_490 = arith.constant 1 : i32
        %sub3A_491 = vector.broadcast %sub3A_490 : i32 to vector<16xi32>
        %sub3A_492 = arith.subi %add3A_464, %sub3A_491 : vector<16xi32>
        %max3A_493 = arith.constant 0 : i32
        %max3A_494 = vector.broadcast %max3A_493 : i32 to vector<16xi32>
        %max3A_495 = arith.maxsi %sub3A_492, %max3A_494 : vector<16xi32>
        %gather3A_496 = tpu.vector_load_idx %arg9[%max3A_495] : memref<3152xi32, #tpu.memory_space<vmem>>[vector<16xi32>], vector<16xi32>,
        %get3A_497 = arith.constant 48 : index
        %get3A_498 = tpu.vector_load %arg11[%get3A_497] {strides = array<i32>} : memref<64xi32, #tpu.memory_space<vmem>>, vector<16xi32>,
        %bitcast3A_499 = vector.bitcast %get3A_498 : vector<16xi32> to vector<16xi32>
        %broadcast_in_dim3A_500 = arith.constant true
        %broadcast_in_dim3A_501 = vector.broadcast %broadcast_in_dim3A_500 : i1 to vector<16xi1>
        %masked_cummax3A_502 = tpu.scan <max>, %bitcast3A_499 masked %broadcast_in_dim3A_501 : vector<16xi32>, vector<16xi1> -> vector<16xi32>
        %bitcast3A_503 = vector.bitcast %gather3A_496 : vector<16xi32> to vector<16xi32>
        %max3A_504 = arith.maxui %masked_cummax3A_502, %bitcast3A_503 : vector<16xi32>
        %bitcast3A_505 = vector.bitcast %max3A_504 : vector<16xi32> to vector<16xi32>
        %gather3A_506 = tpu.vector_load_idx %arg6[%gather3A_477] : memref<100000xf32, #tpu.memory_space<vmem>>[vector<16xi32>], vector<16xf32>,
        %gather3A_507 = tpu.vector_load_idx %arg6[%bitcast3A_505] : memref<100000xf32, #tpu.memory_space<vmem>>[vector<16xi32>], vector<16xf32>,
        %sub3A_508 = arith.subf %gather3A_507, %gather3A_506 : vector<16xf32>
        %mul3A_509 = arith.mulf %sub3A_508, %sub3A_508 : vector<16xf32>
        %add3A_510 = arith.constant 9.99999997E-7 : f32
        %add3A_511 = vector.broadcast %add3A_510 : f32 to vector<16xf32>
        %add3A_512 = arith.addf %mul3A_509, %add3A_511 : vector<16xf32>
        %bitcast3A_513 = vector.bitcast %add3A_512 : vector<16xf32> to vector<16xi32>
        %shift_right_logical3A_514 = arith.constant 1 : i32
        %shift_right_logical3A_515 = vector.broadcast %shift_right_logical3A_514 : i32 to vector<16xi32>
        %shift_right_logical3A_516 = arith.shrui %bitcast3A_513, %shift_right_logical3A_515 : vector<16xi32>
        %sub3A_517 = arith.constant 1597463007 : i32
        %sub3A_518 = vector.broadcast %sub3A_517 : i32 to vector<16xi32>
        %sub3A_519 = arith.subi %sub3A_518, %shift_right_logical3A_516 : vector<16xi32>
        %bitcast3A_520 = vector.bitcast %sub3A_519 : vector<16xi32> to vector<16xf32>
        %mul3A_521 = arith.constant 5.000000e-01 : f32
        %mul3A_522 = vector.broadcast %mul3A_521 : f32 to vector<16xf32>
        %mul3A_523 = arith.mulf %mul3A_522, %add3A_512 : vector<16xf32>
        %mul3A_524 = arith.mulf %mul3A_523, %bitcast3A_520 : vector<16xf32>
        %mul3A_525 = arith.mulf %mul3A_524, %bitcast3A_520 : vector<16xf32>
        %sub3A_526 = arith.constant 1.500000e+00 : f32
        %sub3A_527 = vector.broadcast %sub3A_526 : f32 to vector<16xf32>
        %sub3A_528 = arith.subf %sub3A_527, %mul3A_525 : vector<16xf32>
        %mul3A_529 = arith.mulf %bitcast3A_520, %sub3A_528 : vector<16xf32>
        %mul3A_530 = arith.mulf %add3A_512, %mul3A_529 : vector<16xf32>
        %ge3A_531 = arith.cmpi sge, %add3A_471, %gather3A : vector<16xi32>
        %lt3A_532 = arith.cmpi slt, %add3A_471, %select_n3A : vector<16xi32>
        %and3A_533 = arith.andi %ge3A_531, %lt3A_532 : vector<16xi1>
        %sub3A_534 = arith.constant 1.000000e-03 : f32
        %sub3A_535 = vector.broadcast %sub3A_534 : f32 to vector<16xf32>
        %sub3A_536 = arith.subf %mul3A_530, %sub3A_535 : vector<16xf32>
        %jit3A_537 = arith.constant 0.000000e+00 : f32
        %broadcast_in_dim3A_538 = vector.broadcast %jit3A_537 : f32 to vector<16xf32>
        %select_n3A_539 = arith.select %and3A_533, %sub3A_536, %broadcast_in_dim3A_538 : vector<16xi1>, vector<16xf32>
        %add3A_540 = arith.addf %add3A_462, %select_n3A_539 : vector<16xf32>
        %all_reduce_population_count3A_541 = tpu.all_reduce %lt3A_485 {dim = 0 : i64, kind = #tpu.reduction_kind<sum>} : vector<16xi1> -> vector<16xi32>
        %add3A_542 = arith.addi %add3A_464, %all_reduce_population_count3A_541 : vector<16xi32>
        scf.yield %add3A_542, %add3A_540 : vector<16xi32>, vector<16xf32>
      }
      scf.yield %while3A_234#0, %while3A_234#1 : vector<16xi32>, vector<16xf32>
    }
    %and3A_99 = arith.constant 1 : i32
    %and3A_100 = arith.andi %select_n3A_59, %and3A_99 : i32
    %mul3A_101 = arith.constant 4096 : i32
    %mul3A_102 = arith.muli %and3A_100, %mul3A_101 : i32
    %multiple_of3A_103 = tpu.assume_multiple %mul3A_102, 8 : i32
    %and3A_104 = arith.constant 1 : i32
    %and3A_105 = arith.andi %select_n3A_59, %and3A_104 : i32
    %dma_wait3A = tpu.memref_slice %arg10[%multiple_of3A_103] : memref<8192xi32, #tpu.memory_space<vmem>> -> memref<4096xi32, #tpu.memory_space<vmem>>
    %dma_wait3A_106 = arith.constant 0 : i32
    %dma_wait3A_107 = tpu.memref_slice %arg3[%dma_wait3A_106] : memref<1600000xi32, #tpu.memory_space<hbm>> -> memref<4096xi32, #tpu.memory_space<hbm>>
    %dma_wait3A_108 = tpu.memref_slice %arg14[%and3A_105] : memref<2x!tpu.dma_semaphore, #tpu.memory_space<semaphore_mem>> -> memref<1x!tpu.dma_semaphore, #tpu.memory_space<semaphore_mem>>
    %dma_wait3A_109 = tpu.memref_squeeze %dma_wait3A_108 : memref<1x!tpu.dma_semaphore, #tpu.memory_space<semaphore_mem>> -> memref<!tpu.dma_semaphore, #tpu.memory_space<semaphore_mem>>
    %dma_wait3A_110 = tpu.memref_slice %arg10[%multiple_of3A_103] : memref<8192xi32, #tpu.memory_space<vmem>> -> memref<4096xi32, #tpu.memory_space<vmem>>
    %dma_wait3A_111 = arith.constant 0 : i32
    %dma_wait3A_112 = tpu.memref_slice %arg3[%dma_wait3A_111] : memref<1600000xi32, #tpu.memory_space<hbm>> -> memref<4096xi32, #tpu.memory_space<hbm>>
    tpu.wait_dma2 semaphore(%dma_wait3A_109 : memref<!tpu.dma_semaphore, #tpu.memory_space<semaphore_mem>>) src(%dma_wait3A_112 : memref<4096xi32, #tpu.memory_space<hbm>>) dst(%dma_wait3A_110 : memref<4096xi32, #tpu.memory_space<vmem>>)
    %swap3A = arith.constant 0 : index
    %swap3A_113 = tpu.vector_load %arg12[%swap3A] {strides = array<i32>} : memref<16xf32, #tpu.memory_space<vmem>>, vector<16xf32>,
    tpu.vector_store %arg12[%swap3A], %while3A_98#1 {strides = array<i32>} : memref<16xf32, #tpu.memory_space<vmem>>, vector<16xf32>,
    "tpu.region"() ({
      %run_scoped3A = tpu.sem_alloc : memref<!tpu.dma_semaphore, #tpu.memory_space<semaphore_mem>>
      %dma_start3A_114 = arith.constant 0 : i32
      %dma_start3A_115 = tpu.memref_slice %arg5[%add3A, %dma_start3A_114] : memref<32x16xf32, #tpu.memory_space<hbm>> -> memref<1x16xf32, #tpu.memory_space<hbm>>
      %dma_start3A_116 = tpu.memref_squeeze %dma_start3A_115 : memref<1x16xf32, #tpu.memory_space<hbm>> -> memref<16xf32, #tpu.memory_space<hbm>>
      %dma_start3A_117 = arith.constant 0 : i32
      %dma_start3A_118 = tpu.memref_slice %arg5[%add3A, %dma_start3A_117] : memref<32x16xf32, #tpu.memory_space<hbm>> -> memref<1x16xf32, #tpu.memory_space<hbm>>
      %dma_start3A_119 = tpu.memref_squeeze %dma_start3A_118 : memref<1x16xf32, #tpu.memory_space<hbm>> -> memref<16xf32, #tpu.memory_space<hbm>>
      tpu.enqueue_dma source(%arg12 : memref<16xf32, #tpu.memory_space<vmem>>) target(%dma_start3A_119 : memref<16xf32, #tpu.memory_space<hbm>>) target_semaphore(%run_scoped3A : memref<!tpu.dma_semaphore, #tpu.memory_space<semaphore_mem>>)
      %dma_wait3A_120 = arith.constant 0 : i32
      %dma_wait3A_121 = tpu.memref_slice %arg5[%add3A, %dma_wait3A_120] : memref<32x16xf32, #tpu.memory_space<hbm>> -> memref<1x16xf32, #tpu.memory_space<hbm>>
      %dma_wait3A_122 = tpu.memref_squeeze %dma_wait3A_121 : memref<1x16xf32, #tpu.memory_space<hbm>> -> memref<16xf32, #tpu.memory_space<hbm>>
      %dma_wait3A_123 = arith.constant 0 : i32
      %dma_wait3A_124 = tpu.memref_slice %arg5[%add3A, %dma_wait3A_123] : memref<32x16xf32, #tpu.memory_space<hbm>> -> memref<1x16xf32, #tpu.memory_space<hbm>>
      %dma_wait3A_125 = tpu.memref_squeeze %dma_wait3A_124 : memref<1x16xf32, #tpu.memory_space<hbm>> -> memref<16xf32, #tpu.memory_space<hbm>>
      tpu.wait_dma2 semaphore(%run_scoped3A : memref<!tpu.dma_semaphore, #tpu.memory_space<semaphore_mem>>) src(%arg12 : memref<16xf32, #tpu.memory_space<vmem>>) dst(%dma_wait3A_125 : memref<16xf32, #tpu.memory_space<hbm>>)
      tpu.yield
    }) : () -> ()
    return
  }
}

module attributes {stable_mosaic.version = 14 : i64} {
  func.func @_softplus_body(%arg0: memref<784x128xf32, #tpu.memory_space<vmem>>, %arg1: memref<784x128xf32, #tpu.memory_space<vmem>>) attributes {dimension_semantics = [], scalar_prefetch = 0 : i64, scratch_operands = 0 : i64, tpu.core_type = #tpu.core_type<tc>} {
    %get3A = arith.constant 0 : index
    %get3A_0 = arith.constant 0 : index
    %get3A_1 = vector.load %arg0[%get3A, %get3A_0] : memref<784x128xf32, #tpu.memory_space<vmem>>, vector<784x128xf32>
    %mul3A = arith.constant 1.000000e+01 : f32
    %mul3A_2 = vector.broadcast %mul3A : f32 to vector<784x128xf32>
    %mul3A_3 = arith.mulf %mul3A_2, %get3A_1 : vector<784x128xf32>
    %abs3A = math.absf %mul3A_3 : vector<784x128xf32>
    %neg3A = arith.constant 0.000000e+00 : f32
    %neg3A_4 = vector.broadcast %neg3A : f32 to vector<784x128xf32>
    %neg3A_5 = arith.subf %neg3A_4, %abs3A : vector<784x128xf32>
    %exp3A = math.exp %neg3A_5 : vector<784x128xf32>
    %log1p3A = math.log1p %exp3A : vector<784x128xf32>
    %max3A = arith.constant 0.000000e+00 : f32
    %max3A_6 = vector.broadcast %max3A : f32 to vector<784x128xf32>
    %max3A_7 = arith.maximumf %mul3A_3, %max3A_6 : vector<784x128xf32>
    %add3A = arith.addf %log1p3A, %max3A_7 : vector<784x128xf32>
    %mul3A_8 = arith.constant 1.000000e-01 : f32
    %mul3A_9 = vector.broadcast %mul3A_8 : f32 to vector<784x128xf32>
    %mul3A_10 = arith.mulf %add3A, %mul3A_9 : vector<784x128xf32>
    %swap3A = arith.constant 0 : index
    %swap3A_11 = arith.constant 0 : index
    %swap3A_12 = vector.load %arg1[%swap3A, %swap3A_11] : memref<784x128xf32, #tpu.memory_space<vmem>>, vector<784x128xf32>
    tpu.vector_store %arg1[%swap3A, %swap3A_11], %mul3A_10 {strides = array<i32>} : memref<784x128xf32, #tpu.memory_space<vmem>>, vector<784x128xf32>,
    return
  }
}

</mosaic_0001>

<sc_bundles>
// kernel: kernel.4.cloned.1.call-start
scs
__scs_entry_jumppad:
0x0: {  	(pc) =	sbr.rel $0x88, $3  }
0x1: {  	(tag) =	ssettag $0x0;
	lr =	simm.s32 $0x1  }
0x2: {  	[smem:$0x3F9E] =	sst lr;
	_ =	strace $0xD0000000  }
0x3: {  	_ = 	snop  }
0x4: {  	_ = 	snop  }
0x5: {  	_ = 	snop  }
0x6: {  	_ = 	snop  }
0x7: {  	_ = 	snop  }
__scs_overlays_trampoline_lowered:
0x8: {  	[smem:$0x3FAD] =	sst s0  }
0x9: {  	[smem:$0x3FAE] =	sst s1  }
0xa: {  	[smem:$0x3FAF] =	sst s2  }
0xb: {  	[smem:$0x3FB0] =	sst s3  }
0xc: {  	[smem:$0x3FB1] =	sst s4  }
0xd: {  	[smem:$0x3FB2] =	sst s5  }
0xe: {  	[smem:$0x3FB3] =	sst s6  }
0xf: {  	[smem:$0x3FB4] =	sst s7  }
0x10: {  	[smem:$0x3FB5] =	sst s8  }
0x11: {  	[smem:$0x3FB6] =	sst s9;
	s0 =	simm.s32 @!p0 $0x0  }
0x12: {  	s1 =	sld [smem:$0x3F9C];
	s0 =	simm.s32 @p0 $0x1  }
0x13: {  	[smem:$0x3FB7] =	sst s0;
	s0 =	simm.s32 @!p1 $0x0  }
0x14: {  	s2 =	sld [smem:$0x3F9B];
	s0 =	simm.s32 @p1 $0x1  }
0x15: {  	[smem:$0x3FB8] =	sst s0;
	s0 =	simm.s32 @!p2 $0x0  }
0x16: {  	s3 =	sld [smem:$0x3FDB];
	s0 =	simm.s32 @p2 $0x1  }
0x17: {  	s4 =	simm.s32 $0x1BF5;
	[smem:$0x3FBA] =	sst s0  }
0x18: {  	s0 =	sld [smem:$0x3F9D];
	_ =	swait.ge [sflag:s4], $0x0  }
0x19: {  	s7 =	sld [smem:$0x3F9E]  }
0x1a: {  	s8 =	sadd.s32 $0xFFFFE003, lr  }
0x1b: {  	s9 =	sadd.s32 $0xFFFFFEF7, lr;
	s5 =	simm.s32 $0xFFFFFFFF;
	p2 =	slt.u32 s8, $0xFFFFF086  }
0x1c: {  	p1 =	slt.u32 s9, $0xF7A;
	s5 =	simm.s32 @!p2 $0x0  }
0x1d: {  	s5 =	simm.s32 @p1 $0x1;
	p0 =	seq.s32 s7, s2  }
0x1e: {  	s7 =	smul.u32 @!p0 $0xF7A, s2;
	p2 =	seq.s32 @!p0 s5, $0x0  }
0x1f: {  	s9 =	smul.u32 $0xF7A, s1;
	s8 =	simm.s32 @!p0 $0x1BF5;
	p2 =	por !p2, p0  }
0x20: {  	[sflag:s8] =	ssyncset.s32 @!p0 $0xFFFFF086;
	s6 =	sadd.s32 @!p0 s3, s7;
	s7 =	simm.s32 @!p0 $0x108  }
0x21: {  	s3 =	sadd.s32 s3, s9;
	s6 =	sadd.s32 @!p0 $0x88, s6;
	s7 =	simm.s32 @p2 $0x1082  }
0x22: {  	[simem:s7], [sflag:s8] =	dma.local @!p0 [hbm:s6], $0xF7A  }
0x23: {  	s9 =	sor.u32 $0xD0000000, s2;
	s6 =	simm.s32 $0x108;
	_ =	swait.ge @!p0 [sflag:s8], $0x0  }
0x24: {  	s3 =	sadd.s32 $0x88, s3;
	s6 =	simm.s32 @!p1 $0x1082;
	[sflag:s4] =	ssyncset.s32 $0xFFFFF086  }
0x25: {  	[simem:s6], [sflag:s4] =	dma.local [hbm:s3], $0xF7A  }
0x26: {  	[smem:$0x3F9E] =	sst s1;
	(tag) =	ssettag s2;
	_ =	strace s9  }
0x27: {  	s1 =	sld [smem:$0x3FAE]  }
0x28: {  	s2 =	sld [smem:$0x3FAF]  }
0x29: {  	s4 =	sld [smem:$0x3FB1]  }
0x2a: {  	p0 =	seq.s32 s5, $0x0;
	s5 =	sld [smem:$0x3FB2]  }
0x2b: {  	s6 =	sld [smem:$0x3FB3]  }
0x2c: {  	s7 =	sld [smem:$0x3FB4]  }
0x2d: {  	s3 =	simm.s32 $0x108;
	s8 =	sld [smem:$0x3FB5]  }
0x2e: {  	s3 =	simm.s32 @!p0 $0x1082;
	s9 =	sld [smem:$0x3FB6]  }
0x2f: {  	lr =	sadd.s32 s0, s3;
	s0 =	sld [smem:$0x3FAD]  }
0x30: {  	s3 =	sld [smem:$0x3FB0]  }
0x31: {  	[smem:$0x3FB9] =	sst s10  }
0x32: {  	s10 =	sld [smem:$0x3FB7];
	_ =	sdelay $0x3  }
0x33: {  	p0 =	seq.s32 s10, $0x1;
	s10 =	sld [smem:$0x3FB9];
	_ =	sdelay $0x3  }
0x34: {  	[smem:$0x3FB9] =	sst s10  }
0x35: {  	s10 =	sld [smem:$0x3FB8];
	_ =	sdelay $0x3  }
0x36: {  	p1 =	seq.s32 s10, $0x1;
	s10 =	sld [smem:$0x3FB9];
	_ =	sdelay $0x3  }
0x37: {  	[smem:$0x3FB9] =	sst s10  }
0x38: {  	s10 =	sld [smem:$0x3FBA]  }
0x39: {  	_ = 	snop;
	(pc) =	sbr.ind lr, $3  }
0x3a: {  	_ = 	snop  }
0x3b: {  	_ = 	snop  }
0x3c: {  	p2 =	seq.s32 s10, $0x1;
	s10 =	sld [smem:$0x3FB9]  }
0x3d: {  	_ =	shalt  }
0x3e: {  	_ =	shalt  }
0x3f: {  	_ =	shalt  }
0x40: {  	_ =	shalt  }
0x41: {  	_ =	shalt  }
0x42: {  	_ =	shalt  }
0x43: {  	_ =	shalt  }
0x44: {  	_ =	shalt  }
0x45: {  	_ =	shalt  }
0x46: {  	_ =	shalt  }
0x47: {  	_ =	shalt  }
0x48: {  	_ =	shalt  }
0x49: {  	_ =	shalt  }
0x4a: {  	_ =	shalt  }
0x4b: {  	_ =	shalt  }
0x4c: {  	_ =	shalt  }
0x4d: {  	_ =	shalt  }
0x4e: {  	_ =	shalt  }
0x4f: {  	_ =	shalt  }
0x50: {  	_ =	shalt  }
0x51: {  	_ =	shalt  }
0x52: {  	_ =	shalt  }
0x53: {  	_ =	shalt  }
0x54: {  	_ =	shalt  }
0x55: {  	_ =	shalt  }
0x56: {  	_ =	shalt  }
0x57: {  	_ =	shalt  }
0x58: {  	_ =	shalt  }
0x59: {  	_ =	shalt  }
0x5a: {  	_ =	shalt  }
0x5b: {  	_ =	shalt  }
0x5c: {  	_ =	shalt  }
0x5d: {  	_ =	shalt  }
0x5e: {  	_ =	shalt  }
0x5f: {  	_ =	shalt  }
0x60: {  	_ =	shalt  }
0x61: {  	_ =	shalt  }
0x62: {  	_ =	shalt  }
0x63: {  	_ =	shalt  }
0x64: {  	_ =	shalt  }
0x65: {  	_ =	shalt  }
0x66: {  	_ =	shalt  }
0x67: {  	_ =	shalt  }
0x68: {  	_ =	shalt  }
0x69: {  	_ =	shalt  }
0x6a: {  	_ =	shalt  }
0x6b: {  	_ =	shalt  }
0x6c: {  	_ =	shalt  }
0x6d: {  	_ =	shalt  }
0x6e: {  	_ =	shalt  }
0x6f: {  	_ =	shalt  }
0x70: {  	_ =	shalt  }
0x71: {  	_ =	shalt  }
0x72: {  	_ =	shalt  }
0x73: {  	_ =	shalt  }
0x74: {  	_ =	shalt  }
0x75: {  	_ =	shalt  }
0x76: {  	_ =	shalt  }
0x77: {  	_ =	shalt  }
0x78: {  	_ =	shalt  }
0x79: {  	_ =	shalt  }
0x7a: {  	_ =	shalt  }
0x7b: {  	_ =	shalt  }
0x7c: {  	_ =	shalt  }
0x7d: {  	_ =	shalt  }
0x7e: {  	_ =	shalt  }
0x7f: {  	_ =	shalt  }
0x80: {  	_ =	shalt  }
0x81: {  	_ =	shalt  }
0x82: {  	_ =	shalt  }
0x83: {  	_ =	shalt  }
0x84: {  	_ =	shalt  }
0x85: {  	_ =	shalt  }
0x86: {  	_ =	shalt  }
0x87: {  	_ =	shalt  }
.Lfunc_end0:
.L_simem_size_0:
called_computation_lowered:
.L_overlay_start_0:
0x88: {  	s2 =	sld [smem:$0x3FD9]  }
0x89: {  	s3 =	sld [smem:$0x3FFE];
	_ =	sdelay $0x1  }
0x8a: {  	s1 =	srdreg.scid  }
0x8b: {  	s0 =	sand.u32 $0x1, s1  }
0x8c: {  	s17 =	sshll.u32 s0, $0xA;
	s2 =	sadd.s32 s3, s2  }
0x8d: {  	s2 =	sadd.s32 s2, s17  }
0x8e: {  	[smem:$0x3FC5] =	sst s2  }
0x8f: {  	_ = 	snop  }
0x90: {  	s2 =	sld [smem:$0x3FC8]  }
0x91: {  	s18 =	sld [smem:$0x3FC7];
	(tm) =	ssettm $0x1  }
0x92: {  	s4 =	sld [smem:$0x3FFB];
	_ =	sdelay $0x3  }
0x93: {  	_ =	strace s4  }
0x94: {  	s4 =	sld [smem:$0x3FFC];
	_ =	sdelay $0x3  }
0x95: {  	_ =	strace s4  }
0x96: {  	s4 =	sld [smem:$0x3FFD];
	_ =	sdelay $0x3  }
0x97: {  	_ =	strace s4  }
0x98: {  	_ =	strace $0x8FFFFFFF  }
0x99: {  	s19 =	sld [smem:$0x3FDB];
	_ =	sdelay $0x1  }
0x9a: {  	s5 =	simm.s32 $_scs_section_size  }
0x9b: {  	s6 =	simm.s32 $_size__tile_overlayer_lowered;
	s7 =	simm.s32 $_tile_overlayer_lowered  }
0x9c: {  	s22 =	simm.s32 $0x1BFF;
	s21 =	sshll.u32 s7, $0x1;
	s4 =	sadd.s32 s5, s19  }
0x9d: {  	s8 =	simm.s32 $0x0;
	s20 =	sshll.u32 s6, $0x1;
	s6 =	sadd.s32 s21, s4  }
0x9e: {  	[timem:s8], [sflag:s22] =	dma.local [hbm:s6], s20  }
0x9f: {  	_ =	swait.ge [sflag:s22], s20  }
0xa0: {  	s5 =	ssub.s32 $0x0, s20;
	[sflag:s22] =	ssyncset.done $0x0  }
0xa1: {  	[sflag:s22] =	ssyncadd.s32 s5;
	_ =	sdelay $0x1  }
0xa2: {  	s23 =	simm.s32 $0x1B8B  }
0xa3: {  	_ =	swait.ge [sflag:s23], $0x1  }
0xa4: {  	[sflag:s23] =	ssyncset.done $0x0  }
0xa5: {  	s25 =	simm.s32 $0x1B8E;
	s24 =	sld [smem:$0x3FFE];
	[sflag:s23] =	ssyncadd.s32 $0xFFFFFFFF  }
0xa6: {  	s26 =	simm.s32 $execute0_lowered;
	[smem:$0x3FD2] =	sst s25  }
0xa7: {  	s6 =	sshll.u32 s26, $0x1;
	_ =	strace $0x80000046;
	[dreg:$0x1] =	wrdreg $0xFFFFFFFF  }
0xa8: {  	s28 =	simm.s32 $_size_execute0_lowered;
	s4 =	sadd.s32 s4, s6;
	[dreg:$0x0] =	wrdreg $0x0  }
0xa9: {  	s6 =	sshll.u32 s28, $0x1;
	[dreg:$0x2] =	wrdreg s4  }
0xaa: {  	[dreg:$0x3] =	wrdreg s6  }
0xab: {  	[dreg:$0x4] =	wrdreg $0xC0  }
0xac: {  	_ =	task [dreg:s8], $0x5FFFF  }
0xad: {  	[dreg:$0x1] =	wrdreg $0xFFFFFFFF  }
0xae: {  	[dreg:$0x0] =	wrdreg $0x60  }
0xaf: {  	[dreg:$0x2] =	wrdreg s24  }
0xb0: {  	[dreg:$0x3] =	wrdreg s2  }
0xb1: {  	[dreg:$0x4] =	wrdreg s18  }
0xb2: {  	[dreg:$0x5] =	wrdreg $0x9  }
0xb3: {  	_ =	task.clear_ibuf [dreg:s8], $0x6FFFF;
	_ =	strace $0x90000046  }
0xb4: {  	s29 =	simm.s32 $0x9;
	_ =	strace $0x80000048  }
0xb5: {  	_ =	swait.ge [sflag:s29], $0x1  }
0xb6: {  	[sflag:s29] =	ssyncadd.s32 $0xFFFFFFFF  }
0xb7: {  	_ =	strace $0x90000048  }
0xb8: {  	_ =	sfence  }
0xb9: {  	s30 =	sld [smem:$0x0];
	_ =	sdelay $0x2  }
0xba: {  	s31 =	sshll.u32 s1, $0xD;
	s1 =	sshrl.u32 s1, $0x2  }
0xbb: {  	s3 =	sand.u32 $0x4000, s31;
	s1 =	sadd.s32 s1, s30  }
0xbc: {  	s0 =	sor.u32 s3, s0;
	s1 =	sshll.u32 s1, $0x11  }
0xbd: {  	s0 =	sor.u32 s1, s0  }
0xbe: {  	s0 =	sadd.s32 $0x8F2B, s0  }
0xbf: {  	[sflag:s0] =	ssyncadd.remote.s32 $0x1  }
0xc0: {  	_ =	sfence.sel $0xFFFF  }
0xc1: {  	[dreg:$0x0] =	wrdreg $0xFFFFFFFF;
	(pc) =	sbr.abs _section_cstart, $3  }
0xc2: {  	[dreg:$0x1] =	wrdreg $0xFFFFFFFF  }
0xc3: {  	_ =	task.clear_ibuf [dreg:s8], $0x2FFFF;
	_ =	strace $0x9FFFFFFF  }
0xc4: {  	(tm) =	ssettm $0x7FFFFFFF  }
0xc5: {  	_ =	shalt  }
tec
execute0_lowered:
.L_overlay_start_1:
0x0: {  	(tag) =	ssettag $0x1  }
0x1: {  	s1 =	rddreg [dreg:$0x0]  }
0x2: {  	s2 =	rddreg [dreg:$0x1];
	s0 =	srdreg.scid  }
0x3: {  	s3 =	rddreg [dreg:$0x2];
	s7 =	stileid.u32  }
0x4: {  	s4 =	simm.s32 $0x0;
	s9 =	simm.s32 $0x4;
	s0 =	sand.u32 $0x1, s0  }
0x5: {  	s10 =	simm.s32 $0x1AC80;
	s12 =	simm.s32 $0x1A000;
	s5 =	sshll.u32 s0, $0x4  }
0x6: {  	s13 =	simm.s32 $0x1;
	s14 =	simm.s32 $0x1CC80;
	s5 =	sor.u32 s7, s5  }
0x7: {  	s15 =	simm.s32 $0x1CC90;
	s16 =	simm.s32 $0x1CCA0;
	s11 =	smul.u32 $0xC35, s5  }
0x8: {  	s17 =	simm.s32 $0x1CCB0;
	s18 =	simm.s32 $0x1CD00;
	s19 =	simm.s32 $0x0  }
0x9: {  	s6 =	sshll.u32 s7, $0x4;
	[smem:$0x7FF] =	sst s4;
	s8 =	sand.u32 $0x1FFF8, s11  }
0xa: {  	s6 =	sand.u32 $0x70, s6;
	s0 =	ssub.s32 $0x2, s0;
	s31 =	smin.u32 s8, $0x17A50  }
.Ltmp0:
0xb: {  	s5 =	sshll.u32 s5, $0x4;
	s8 =	ssub.s32 s11, s31;
	(pc) =	sbr.rel .LBB2_1-.Ltmp0, $4  }
0xc: {  	s6 =	sadd.s32 s6, s1;
	s30 =	sshrl.u32 s0, $0x1;
	s5 =	sand.u32 $0x180, s5;
	v0 =	vmov s8  }
0xd: {  	v4 =	vlaneseq.u32;
	v5 =	vimm.s32 $0x0;
	_ =	strace $0x80000047;
	s0 =	ssub.s32 s0, s30;
	s6 =	sadd.s32 s5, s6;
	v2 =	vadd.s32 $0xC35, v0  }
0xe: {  	v6 =	vimm.s32 $0x7FFFFFFF;
	v1 =	vmov s11;
	s6 =	sadd.s32 $0x3200, s6;
	s7 =	sshrl.u32 s31, $0x3;
	s11 =	simm.s32 $0x19380;
	vm0 =	vlt.s32 v2, $0xC4F  }
0xf: {  	s5 =	sadd.s32 s3, s7;
	s7 =	smax.u32 s0, $0x1;
	s8 =	simm.s32 $0x18700;
	v3 =	vadd.s32 $0x1, v0;
	v2 =	vnsel vm0, $0xC4F, v2;
	vm0 =	vgt.u32 v1, $0x17A6A  }
.LBB2_4:
0x10: {  	v10 =	vimm.f32 $0.0e+00  }
.LBB2_5:
0x11: {  	s0 =	sand.u32 $0x1, s23  }
0x12: {  	s0 =	sor.u32 $0x2, s0  }
0x13: {  	_ =	swait.ge [sflag:s0], $0x1000  }
0x14: {  	s19 =	sadd.s32 $0x1, s19;
	[sflag:s0] =	ssyncset.done $0x0  }
0x15: {  	p0 =	sne.s32 s19, s7;
	[sflag:s0] =	ssyncadd.s32 $0xFFFFF000  }
.Ltmp1:
0x16: {  	[tilespmem:$0x1CD00] =	vst v10;
	(pc) =	sbr.rel @!p0 .LBB2_6-.Ltmp1, $4  }
0x17: {  	[hbm4b:s6+s4] =	stream.linear.scatter [tilespmem:s18], [sflag:$0x4], $0x80, $0x38;
	[tilespmem:$0x1CD80] =	vst v63  }
0x18: {  	_ =	swait.ge [sflag:s9], $0x80  }
0x19: {  	[sflag:s9] =	ssyncset.done $0x0  }
0x1a: {  	[sflag:s9] =	ssyncadd.s32 $0xFFFFFF80  }
.LBB2_1:
0x1b: {  	s0 =	rddreg [dreg:$0x0]  }
0x1c: {  	[tilespmem:s4], [sflag:$0x1] =	stream.linear.gather [hbm4b:s0+s4], $0x18700, $0x38;
	[tilespmem:$0x1CD80] =	vst v63  }
0x1d: {  	_ = 	snop  }
0x1e: {  	[tilespmem:s8], [sflag:$0x4] =	stream.linear.gather [hbm4b:s5+s4], $0xC50, $0x38;
	[tilespmem:$0x1CD80] =	vst v63  }
0x1f: {  	_ =	swait.ge [sflag:s9], $0xC50  }
0x20: {  	[sflag:s9] =	ssyncset.done $0x0  }
0x21: {  	[sflag:s9] =	ssyncadd.s32 $0xFFFFF3B0  }
0x22: {  	v7 =	vld.idx.msk [tilespmem:v0+s8+$0x0], $0xffff;
	_ =	sdelay $0x4  }
0x23: {  	v8 =	vand.u32 $0xFFFFFFF8, v7  }
0x24: {  	v9 =	vxor.u32 $0x80000000, v8  }
0x25: {  	(xrf0) =	vmax.scan.msk.u32 $0xffff, v9;
	_ =	sdelay $0x5  }
0x26: {  	v9, _, _ =	vpop (xrf0)  }
0x27: {  	(v2sf) =	vpush v9, $0xF;
	_ =	sdelay $0xd  }
0x28: {  	v10 =	vor.u32 s4, v4  }
0x29: {  	v9 =	vadd.s32 v3, v10;
	s20 =	spop (v2sf)  }
0x2a: {  	v11 =	vadd.s32 v0, v10;
	vm1 =	vlt.s32 v9, $0xC4F;
	s21 =	sxor.u32 $0x80000000, s20  }
0x2b: {  	vm2 =	vlt.s32 v11, $0xC4F;
	v12 =	vnsel vm1, $0xC4F, v9;
	p0 =	slt.s32 s21, $0x185A00;
	s0 =	smov.u32 s21  }
0x2c: {  	v11 =	vnsel vm2, $0xC4F, v11;
	s0 =	simm.s32 @!p0 $0x185A00  }
0x2d: {  	s0 =	sshrl.u32 s0, $0x3  }
0x2e: {  	s0 =	sadd.s32 s2, s0  }
0x2f: {  	v9 =	vld.idx.msk [tilespmem:v2+s8+$0x0], $0xffff;
	[tilespmem:s10], [sflag:$0x2] =	stream.linear.gather [hbm4b:s0+s4], $0x1000, $0x38  }
0x30: {  	v14 =	vld.idx.msk [tilespmem:v12+s8+$0x0], $0xffff  }
0x31: {  	v12 =	vld.idx.msk [tilespmem:v11+s8+$0x0], $0xffff;
	_ =	sdelay $0x1  }
0x32: {  	v13 =	vadd.s32 v1, v10  }
0x33: {  	vm1 =	vgt.u32 v13, $0x1869E  }
0x34: {  	v11 =	vsel vm1, $0x186A00, v14  }
0x35: {  	vm1 =	vlt.u32 v10, $0xC35;
	vm2 =	vgt.s32 v11, v12  }
0x36: {  	vm1 =	vmand vm1, vm2  }
0x37: {  	v10 =	vsel vm1, $0x1, v5  }
0x38: {  	(xrf0) =	vadd.scan.msk.s32 $0xffff, v10;
	_ =	sdelay $0x5  }
0x39: {  	v11, _, _ =	vpop (xrf0)  }
0x3a: {  	v10 =	vmpcnt.ones.xlane vm1;
	v11 =	vadd.s32 v11, v5  }
0x3b: {  	s31 =	simm.s32 $0x10  }
0x3c: {  	v14 =	vor.u32 s31, v4;
	v10 =	vadd.s32 v5, v10  }
0x3d: {  	s0 =	simm.s32 $0x20;
	v16 =	vadd.s32 v3, v14;
	v15 =	vadd.s32 $0xFFFFFFFF, v11;
	v11 =	vmov v10  }
.LBB2_2:
0x3e: {  	p0 =	sne.s32 s0, $0xC40;
	v17 =	vadd.s32 v0, v14;
	vm2 =	vlt.s32 v16, $0xC4F  }
0x3f: {  	vm3 =	vlt.s32 v17, $0xC4F;
	v16 =	vnsel vm2, $0xC4F, v16  }
0x40: {  	v17 =	vnsel vm3, $0xC4F, v17;
	_ =	sdelay $0x1  }
0x41: {  	[tilespmem:v15+s11+$0x0] =	vst.idx.msk vm1, v12  }
0x42: {  	[tilespmem:v15+s12+$0x0] =	vst.idx.msk vm1, v13  }
0x43: {  	v15 =	vld.idx.msk [tilespmem:v16+s8+$0x0], $0xffff  }
0x44: {  	v12 =	vld.idx.msk [tilespmem:v17+s8+$0x0], $0xffff;
	_ =	sdelay $0x2  }
0x45: {  	v13 =	vadd.s32 v1, v14  }
0x46: {  	vm1 =	vgt.u32 v13, $0x1869E  }
0x47: {  	v15 =	vsel vm1, $0x186A00, v15  }
0x48: {  	vm1 =	vlt.u32 v14, $0xC35;
	vm2 =	vgt.s32 v15, v12  }
0x49: {  	vm1 =	vmand vm1, vm2  }
0x4a: {  	v14 =	vsel vm1, $0x1, v5;
	v15 =	vmpcnt.ones.xlane vm1  }
0x4b: {  	(xrf0) =	vadd.scan.msk.s32 $0xffff, v14  }
0x4c: {  	v10 =	vadd.s32 v10, v15;
	_ =	sdelay $0x2  }
.Ltmp2:
0x4d: {  	(pc) =	sbr.rel @p0 .LBB2_2-.Ltmp2, $4  }
0x4e: {  	_ = 	snop  }
0x4f: {  	v15, _, _ =	vpop (xrf0)  }
0x50: {  	v14 =	vor.u32 s0, v4;
	v15 =	vadd.s32 v15, v11;
	v11 =	vmov v10  }
0x51: {  	s0 =	sadd.s32 $0x10, s0;
	v16 =	vadd.s32 v3, v14;
	v15 =	vadd.s32 $0xFFFFFFFF, v15  }
0x52: {  	_ = 	snop  }
0x53: {  	v17 =	vadd.s32 v0, v14;
	vm2 =	vlt.s32 v16, $0xC4F  }
0x54: {  	vm3 =	vlt.s32 v17, $0xC4F;
	v16 =	vnsel vm2, $0xC4F, v16  }
0x55: {  	v17 =	vnsel vm3, $0xC4F, v17;
	_ =	sdelay $0x1  }
0x56: {  	[tilespmem:v15+s11+$0x0] =	vst.idx.msk vm1, v12  }
0x57: {  	[tilespmem:v15+s12+$0x0] =	vst.idx.msk vm1, v13  }
0x58: {  	v12 =	vld.idx.msk [tilespmem:v16+s8+$0x0], $0xffff  }
0x59: {  	v13 =	vld.idx.msk [tilespmem:v17+s8+$0x0], $0xffff;
	_ =	sdelay $0x1  }
0x5a: {  	v58 =	vadd.s32 v1, v14  }
0x5b: {  	vm1 =	vgt.u32 v58, $0x1869E  }
0x5c: {  	v12 =	vsel vm1, $0x186A00, v12  }
0x5d: {  	vm1 =	vlt.u32 v14, $0xC35;
	vm2 =	vgt.s32 v12, v13  }
0x5e: {  	vm1 =	vmand vm1, vm2  }
0x5f: {  	v9 =	vsel vm0, $0x186A00, v9;
	v59 =	vsel vm1, $0x1, v5  }
0x60: {  	v60 =	vxor.u32 $0x80000000, v9;
	(xrf0) =	vadd.scan.msk.s32 $0xffff, v59  }
0x61: {  	(xrf0) =	vmax.scan.msk.u32 $0xffff, v60;
	_ =	sdelay $0x4  }
0x62: {  	v61, _, _ =	vpop (xrf0)  }
0x63: {  	v62, _, _ =	vpop (xrf0)  }
0x64: {  	(v2sf) =	vpush v62, $0xF;
	_ =	sdelay $0xe  }
0x65: {  	s0 =	spop (v2sf)  }
0x66: {  	s22 =	sxor.u32 $0x80000000, s0  }
0x67: {  	s3 =	ssub.s32 s22, s21  }
0x68: {  	s3 =	sadd.s32 $0xFFF, s3  }
0x69: {  	v63 =	vmpcnt.ones.xlane vm1;
	v11 =	vadd.s32 v61, v11;
	s23 =	sand.u32 $0xFFF, s3  }
0x6a: {  	v11 =	vadd.s32 $0xFFFFFFFF, v11;
	s31 =	sshra.s32 s3, $0x1F;
	p1 =	slt.s32 s3, $0x1;
	p0 =	sne.s32 s23, $0x0  }
0x6b: {  	v10 =	vadd.s32 v10, v63;
	s23 =	sshrl.u32 s31, $0x14;
	p0 =	por !p1, !p0  }
0x6c: {  	v10 =	vadd.s32 v4, v10;
	s3 =	sadd.s32 s23, s3;
	s23 =	simm.s32 $0x1;
	p0 =	por !p0, !p0  }
0x6d: {  	s3 =	sshra.s32 s3, $0xC;
	s23 =	simm.s32 @!p0 $0x0  }
0x6e: {  	s23 =	ssub.s32 s3, s23  }
0x6f: {  	[tilespmem:v11+s11+$0x0] =	vst.idx.msk vm1, v13;
	p0 =	slt.s32 s23, $0x1  }
.Ltmp3:
0x70: {  	[tilespmem:v11+s12+$0x0] =	vst.idx.msk vm1, v58;
	(pc) =	sbr.rel @p0 .LBB2_4-.Ltmp3, $4  }
0x71: {  	[tilespmem:v10+s11+$0x0] =	vst.idx.msk $0xffff, v6  }
0x72: {  	_ =	swait.ge [sflag:s13], $0x18700  }
0x73: {  	[sflag:s13] =	ssyncset.done $0x0  }
0x74: {  	[sflag:s13] =	ssyncadd.s32 $0xFFFE7900  }
.Ltmp4:
0x75: {  	(pc) =	sbr.rel .LBB2_9-.Ltmp4, $4  }
0x76: {  	_ = 	snop  }
0x77: {  	s0 =	ssub.s32 s20, s0  }
0x78: {  	s24 =	simm.s32 $0x0;
	s0 =	sand.u32 $0xF, s0  }
0x79: {  	v11 =	vimm.s32 $0x0;
	v10 =	vimm.f32 $0.0e+00;
	p0 =	por $0x0, $0x0;
	s25 =	smov.u32 s21;
	p1 =	sne.s32 s0, $0xF  }
.LBB2_11:
0x7a: {  	_ = 	snop  }
.LBB2_16:
0x7b: {  	_ =	sdelay $0x2  }
0x7c: {  	(xrf0) =	vmax.scan.msk.u32 $0xffff, v25  }
0x7d: {  	v29 =	vld.idx.msk [tilespmem:v23+s11+$0x0], $0xffff  }
0x7e: {  	v13 =	vld.idx.msk [tilespmem:v21+s12+$0x0], $0xffff;
	_ =	sdelay $0x1  }
0x7f: {  	s0 =	sadd.s32 $0x20, s30  }
0x80: {  	v30 =	vadd.s32 s0, v12  }
0x81: {  	v21 =	vsub.s32 v29, v30;
	v26, _, _ =	vpop (xrf0)  }
0x82: {  	vm2 =	vlt.u32 v21, $0x10;
	v13 =	vmax.u32 v26, v13  }
0x83: {  	v31 =	vld.idx.msk [tilespmem:v23+s12+$0x0], $0xffff;
	_ =	sdelay $0x2  }
0x84: {  	v16 =	vld.idx.msk [tilespmem:v16+s10+$0x0], $0xffff  }
0x85: {  	v32 =	vmpcnt.ones.xlane vm2;
	v13 =	vld.idx.msk [tilespmem:v13+s4+$0x0], $0xffff;
	[tilespmem:$0x1CCA0] =	vst v5  }
0x86: {  	[tilespmem:v21+s16+$0x0] =	vst.idx.msk vm2, v31  }
0x87: {  	v19 =	vadd.s32 v19, v32;
	v21 =	vld [tilespmem:$0x1CCA0]  }
0x88: {  	v33 =	vadd.s32 v4, v19;
	_ =	sdelay $0x3  }
0x89: {  	(xrf0) =	vmax.scan.msk.u32 $0xffff, v21  }
0x8a: {  	v34 =	vld.idx.msk [tilespmem:v33+s11+$0x0], $0xffff  }
0x8b: {  	v20 =	vld.idx.msk [tilespmem:v20+s12+$0x0], $0xffff;
	_ =	sdelay $0x1  }
0x8c: {  	s26 =	sadd.s32 $0x30, s30  }
0x8d: {  	v35 =	vadd.s32 s26, v12  }
0x8e: {  	v12 =	vsub.s32 v34, v35;
	v36, _, _ =	vpop (xrf0)  }
0x8f: {  	vm2 =	vlt.u32 v12, $0x10;
	v20 =	vmax.u32 v36, v20  }
0x90: {  	v37 =	vld.idx.msk [tilespmem:v33+s12+$0x0], $0xffff;
	_ =	sdelay $0x1  }
0x91: {  	v16 =	vld.idx.msk [tilespmem:v16+s4+$0x0], $0xffff  }
0x92: {  	v15 =	vld.idx.msk [tilespmem:v15+s10+$0x0], $0xffff  }
0x93: {  	v20 =	vld.idx.msk [tilespmem:v20+s4+$0x0], $0xffff;
	[tilespmem:$0x1CCB0] =	vst v5  }
0x94: {  	[tilespmem:v12+s17+$0x0] =	vst.idx.msk vm2, v37  }
0x95: {  	v38 =	vadd.s32 $0xFFFFFFFF, v19;
	v21 =	vld [tilespmem:$0x1CCB0]  }
0x96: {  	vm3 =	vgt.s32 v38, $0x0  }
0x97: {  	v12 =	vnsel vm3, $0x0, v38;
	_ =	sdelay $0x2  }
0x98: {  	(xrf0) =	vmax.scan.msk.u32 $0xffff, v21;
	_ =	sdelay $0x1  }
0x99: {  	v12 =	vld.idx.msk [tilespmem:v12+s12+$0x0], $0xffff;
	_ =	sdelay $0x3  }
0x9a: {  	v21, _, _ =	vpop (xrf0)  }
0x9b: {  	v12 =	vmax.u32 v21, v12;
	_ =	sdelay $0x3  }
0x9c: {  	v13 =	vsub.f32 v13, v17;
	v15 =	vld.idx.msk [tilespmem:v15+s4+$0x0], $0xffff  }
0x9d: {  	v39 =	vmul.f32 v22, v22;
	v12 =	vld.idx.msk [tilespmem:v12+s4+$0x0], $0xffff  }
0x9e: {  	v13 =	vmul.f32 v13, v13  }
0x9f: {  	v16 =	vsub.f32 v20, v16;
	v21 =	vadd.f32 $9.999999970e-07, v39  }
0xa0: {  	v18 =	vadd.f32 @p2 v24, v18;
	v13 =	vadd.f32 $9.999999970e-07, v13  }
0xa1: {  	v16 =	vmul.f32 v16, v16;
	v40 =	vshrl.u32 v21, $0x1;
	v41 =	vmul.f32 $5.000000000e-01, v21  }
0xa2: {  	v54 =	vadd.s32 s30, v11;
	v17 =	vsub.s32 $0x5F3759DF, v40;
	v12 =	vsub.f32 v12, v15  }
0xa3: {  	v45 =	vshrl.u32 v13, $0x1;
	v16 =	vadd.f32 $9.999999970e-07, v16;
	v42 =	vmul.f32 v17, v41  }
0xa4: {  	v46 =	vmul.f32 $5.000000000e-01, v13;
	v20 =	vsub.s32 $0x5F3759DF, v45;
	v12 =	vmul.f32 v12, v12  }
0xa5: {  	v47 =	vshrl.u32 v16, $0x1;
	v48 =	vmul.f32 $5.000000000e-01, v16;
	v44 =	vmul.f32 v17, v42  }
0xa6: {  	v23 =	vmul.f32 v20, v46;
	v50 =	vsub.s32 $0x5F3759DF, v47;
	v12 =	vadd.f32 $9.999999970e-07, v12  }
0xa7: {  	v43 =	vadd.s32 s0, v11;
	v24 =	vmul.f32 v50, v48;
	v15 =	vsub.f32 $1.500000000e+00, v44  }
0xa8: {  	v49 =	vmul.f32 v20, v23;
	v51 =	vshrl.u32 v12, $0x1;
	v52 =	vmul.f32 $5.000000000e-01, v12  }
0xa9: {  	v24 =	vmul.f32 v50, v24;
	v15 =	vmul.f32 v17, v15;
	v53 =	vsub.s32 $0x5F3759DF, v51  }
0xaa: {  	vm4 =	vlt.s32 v54, v9;
	v17 =	vsub.f32 $1.500000000e+00, v49;
	v26 =	vmul.f32 v53, v52  }
0xab: {  	v11 =	vadd.s32 s26, v11;
	v55 =	vsub.f32 $1.500000000e+00, v24;
	v15 =	vmul.f32 v15, v21  }
0xac: {  	vm15 =	vge.s32 v43, v7;
	v17 =	vmul.f32 v20, v17;
	v56 =	vmul.f32 v53, v26  }
0xad: {  	vm3 =	vge.s32 v54, v7;
	v57 =	vmul.f32 v50, v55;
	v15 =	vadd.f32 $-1.000000050e-03, v15  }
0xae: {  	vm3 =	vmand vm3, vm4;
	v13 =	vmul.f32 v17, v13;
	v58 =	vsub.f32 $1.500000000e+00, v56  }
0xaf: {  	v10 =	vpsel p2, v18, v10;
	v59 =	vmul.f32 v57, v16;
	v15 =	vnsel vm3, $0x0, v15  }
0xb0: {  	vm3 =	vge.s32 v14, v7;
	v13 =	vadd.f32 $-1.000000050e-03, v13;
	v60 =	vmul.f32 v53, v58  }
0xb1: {  	v14 =	vadd.f32 $-1.000000050e-03, v59;
	vm1 =	vmand vm3, vm1;
	v10 =	vadd.f32 v15, v10  }
0xb2: {  	vm3 =	vlt.s32 v43, v9;
	v13 =	vnsel vm1, $0x0, v13;
	v12 =	vmul.f32 v60, v12  }
0xb3: {  	vm1 =	vmand vm15, vm3;
	vm3 =	vlt.s32 v11, v9;
	v10 =	vadd.f32 v13, v10  }
0xb4: {  	v61 =	vnsel vm1, $0x0, v14;
	vm1 =	vge.s32 v11, v7;
	v11 =	vadd.f32 $-1.000000050e-03, v12  }
0xb5: {  	v62 =	vmpcnt.ones.xlane vm2;
	vm1 =	vmand vm1, vm3;
	v10 =	vadd.f32 v61, v10  }
0xb6: {  	v63 =	vnsel vm1, $0x0, v11  }
0xb7: {  	v11 =	vadd.s32 v19, v62;
	v10 =	vadd.f32 v63, v10  }
.LBB2_8:
0xb8: {  	p2 =	seq.s32 s24, s23  }
.Ltmp5:
0xb9: {  	_ = 	snop;
	(pc) =	sbr.rel @p2 .LBB2_5-.Ltmp5, $2  }
0xba: {  	_ =	sdelay $0x2  }
0xbb: {  	s20 =	sadd.s32 $0x1000, s20;
	p0 =	por !p0, !p0;
	s25 =	sadd.s32 $0x1000, s25  }
.LBB2_9:
0xbc: {  	s3 =	smov.u32 s24;
	s24 =	sadd.s32 $0x1, s24  }
0xbd: {  	s0 =	sshll.u32 s24, $0xC  }
0xbe: {  	s0 =	sadd.s32 s21, s0  }
0xbf: {  	p2 =	slt.s32 s0, $0x185A00  }
0xc0: {  	s26 =	sand.u32 $0x1, s24;
	s0 =	simm.s32 @!p2 $0x185A00  }
0xc1: {  	s28 =	sshll.u32 s26, $0xC;
	s0 =	sshrl.u32 s0, $0x3  }
0xc2: {  	s26 =	sor.u32 $0x2, s26;
	s28 =	sor.u32 $0x1AC80, s28;
	s0 =	sadd.s32 s2, s0  }
0xc3: {  	[tilespmem:s28], [sflag:s26] =	stream.linear.gather [hbm4b:s0+s4], $0x1000, $0x38;
	[tilespmem:$0x1CD80] =	vst v63  }
0xc4: {  	s0 =	sshll.u32 s3, $0xC  }
0xc5: {  	s31 =	sadd.s32 s21, s0  }
0xc6: {  	s26 =	ssub.s32 s22, s31  }
0xc7: {  	s26 =	sadd.s32 $0xF, s26  }
0xc8: {  	s28 =	sshra.s32 s26, $0x1F;
	p6 =	slt.s32 s26, $0x1  }
0xc9: {  	s28 =	sshrl.u32 s28, $0x1C;
	p2 =	por !p6, !p1  }
0xca: {  	s26 =	sadd.s32 s28, s26;
	p2 =	por !p2, !p2;
	s28 =	simm.s32 $0x1  }
0xcb: {  	s26 =	sshra.s32 s26, $0x4;
	s28 =	simm.s32 @!p2 $0x0  }
0xcc: {  	s26 =	ssub.s32 s26, s28  }
0xcd: {  	p2 =	sgt.s32 s26, $0x0  }
0xce: {  	s26 =	simm.s32 @!p2 $0x0  }
0xcf: {  	s26 =	smin.u32 s26, $0x100  }
0xd0: {  	s26 =	sadd.s32 $0x3, s26  }
0xd1: {  	s28 =	sshrl.u32 s26, $0x2  }
0xd2: {  	p2 =	seq.s32 s28, $0x0  }
.Ltmp6:
0xd3: {  	s3 =	sand.u32 $0x1, s3;
	(pc) =	sbr.rel @p2 .LBB2_8-.Ltmp6, $4  }
0xd4: {  	s29 =	sor.u32 $0x2, s3  }
0xd5: {  	_ =	swait.ge [sflag:s29], $0x1000  }
0xd6: {  	[sflag:s29] =	ssyncset.done $0x0  }
0xd7: {  	[sflag:s29] =	ssyncadd.s32 $0xFFFFF000  }
0xd8: {  	v14 =	vadd.s32 v4, v11;
	_ =	sdelay $0x1  }
0xd9: {  	s26 =	simm.s32 $0x1  }
0xda: {  	s26 =	simm.s32 @!p0 $0x0  }
0xdb: {  	p2 =	slt.s32 s25, $0x185A00;
	s29 =	smov.u32 s25;
	s26 =	sshll.u32 s26, $0xC  }
0xdc: {  	s29 =	simm.s32 @!p2 $0x185A00;
	s26 =	sadd.s32 s26, s20;
	v15 =	vld.idx.msk [tilespmem:v14+s11+$0x0], $0xffff  }
0xdd: {  	s26 =	ssub.s32 s26, s29  }
0xde: {  	s3 =	sshll.u32 s3, $0xC;
	s29 =	sadd.s32 $0x0, s26  }
0xdf: {  	v12 =	vadd.s32 s0, v8;
	s30 =	simm.s32 $0x0;
	s3 =	sor.u32 $0xFFF, s3;
	s31 =	sadd.s32 $0x80000000, s29  }
0xe0: {  	v17 =	vadd.s32 s30, v12;
	v13 =	vmov s3;
	v16 =	vadd.s32 s31, v4  }
0xe1: {  	vm1 =	vlt.s32 v16, v13;
	v15 =	vsub.s32 v15, v17  }
0xe2: {  	v16 =	vsel vm1, v16, v13;
	vm1 =	vlt.u32 v15, $0x10  }
0xe3: {  	v14 =	vld.idx.msk [tilespmem:v14+s12+$0x0], $0xffff;
	_ =	sdelay $0x3  }
0xe4: {  	v16 =	vld.idx.msk [tilespmem:v16+s10+$0x0], $0xffff;
	[tilespmem:$0x1CC80] =	vst v5  }
0xe5: {  	[tilespmem:v15+s14+$0x0] =	vst.idx.msk vm1, v14  }
0xe6: {  	v14 =	vadd.s32 $0xFFFFFFFF, v11;
	v15 =	vmpcnt.ones.xlane vm1;
	v17 =	vld [tilespmem:$0x1CC80]  }
0xe7: {  	vm1 =	vgt.s32 v14, $0x0  }
0xe8: {  	v14 =	vnsel vm1, $0x0, v14;
	v15 =	vadd.s32 v11, v15  }
0xe9: {  	v11 =	vadd.s32 v4, v15;
	_ =	sdelay $0x1  }
0xea: {  	(xrf0) =	vmax.scan.msk.u32 $0xffff, v17  }
0xeb: {  	s31 =	sadd.s32 $0x80000010, s29  }
0xec: {  	v17 =	vadd.s32 s31, v4;
	v14 =	vld.idx.msk [tilespmem:v14+s12+$0x0], $0xffff  }
0xed: {  	vm1 =	vlt.s32 v17, v13;
	v18 =	vld.idx.msk [tilespmem:v11+s11+$0x0], $0xffff  }
0xee: {  	v17 =	vsel vm1, v17, v13;
	_ =	sdelay $0x1  }
0xef: {  	s0 =	simm.s32 $0x10;
	v19, _, _ =	vpop (xrf0)  }
0xf0: {  	v20 =	vadd.s32 s0, v12;
	v14 =	vmax.u32 v19, v14  }
0xf1: {  	v18 =	vsub.s32 v18, v20  }
0xf2: {  	v17 =	vld.idx.msk [tilespmem:v17+s10+$0x0], $0xffff;
	vm1 =	vlt.u32 v18, $0x10  }
0xf3: {  	s1 =	sadd.s32 $0x80000020, s29;
	v20 =	vld.idx.msk [tilespmem:v11+s12+$0x0], $0xffff  }
0xf4: {  	s28 =	sshll.u32 s28, $0x6;
	v22 =	vld.idx.msk [tilespmem:v16+s4+$0x0], $0xffff;
	v19 =	vadd.s32 s1, v4  }
0xf5: {  	p3 =	seq.s32 s28, $0x40;
	v23 =	vadd.s32 $0xFFFFFFFF, v15;
	vm2 =	vlt.s32 v19, v13;
	v21 =	vmpcnt.ones.xlane vm1;
	v24 =	vld.idx.msk [tilespmem:v14+s4+$0x0], $0xffff  }
.Ltmp7:
0xf6: {  	vm3 =	vgt.s32 v23, $0x0;
	s31 =	sadd.s32 $0x80000030, s29;
	v11 =	vadd.s32 v4, v12;
	v16 =	vsel vm2, v19, v13;
	(pc) =	sbr.rel @p3 .LBB2_11-.Ltmp7, $4  }
0xf7: {  	v19 =	vadd.s32 v15, v21;
	v21 =	vnsel vm3, $0x0, v23;
	v14 =	vadd.s32 s31, v4;
	[tilespmem:$0x1CC90] =	vst v5  }
0xf8: {  	v26 =	vadd.s32 $0xFFFFFFFF, v19;
	v23 =	vadd.s32 v4, v19;
	vm2 =	vlt.s32 v14, v13;
	[tilespmem:v18+s15+$0x0] =	vst.idx.msk vm1, v20  }
0xf9: {  	v15 =	vsel vm2, v14, v13;
	v14 =	vadd.s32 s0, v11;
	vm2 =	vgt.s32 v26, $0x0;
	v25 =	vld [tilespmem:$0x1CC90]  }
0xfa: {  	p2 =	por $0x0, $0x0;
	s29 =	simm.s32 $0x40;
	vm1 =	vlt.s32 v14, v9;
	v20 =	vnsel vm2, $0x0, v26;
	v17 =	vld.idx.msk [tilespmem:v17+s4+$0x0], $0xffff;
	v22 =	vsub.f32 v24, v22  }
0xfb: {  	_ =	sdelay $0x3  }
0xfc: {  	v18 =	vld.idx.msk [tilespmem:v21+s12+$0x0], $0xffff;
	(xrf0) =	vmax.scan.msk.u32 $0xffff, v25  }
0xfd: {  	v21 =	vld.idx.msk [tilespmem:v23+s11+$0x0], $0xffff;
	_ =	sdelay $0x2  }
0xfe: {  	s3 =	simm.s32 $0x20  }
0xff: {  	v24 =	vadd.s32 s3, v12  }
0x100: {  	v21 =	vsub.s32 v21, v24;
	v25, _, _ =	vpop (xrf0)  }
0x101: {  	vm2 =	vlt.u32 v21, $0x10;
	v18 =	vmax.u32 v25, v18  }
0x102: {  	v23 =	vld.idx.msk [tilespmem:v23+s12+$0x0], $0xffff;
	_ =	sdelay $0x2  }
0x103: {  	v16 =	vld.idx.msk [tilespmem:v16+s10+$0x0], $0xffff  }
0x104: {  	v24 =	vmpcnt.ones.xlane vm2;
	v18 =	vld.idx.msk [tilespmem:v18+s4+$0x0], $0xffff;
	[tilespmem:$0x1CCA0] =	vst v5  }
0x105: {  	[tilespmem:v21+s16+$0x0] =	vst.idx.msk vm2, v23  }
0x106: {  	v19 =	vadd.s32 v19, v24;
	v21 =	vld [tilespmem:$0x1CCA0]  }
0x107: {  	v23 =	vadd.s32 v4, v19;
	_ =	sdelay $0x3  }
0x108: {  	(xrf0) =	vmax.scan.msk.u32 $0xffff, v21  }
0x109: {  	v21 =	vld.idx.msk [tilespmem:v23+s11+$0x0], $0xffff  }
0x10a: {  	v20 =	vld.idx.msk [tilespmem:v20+s12+$0x0], $0xffff;
	_ =	sdelay $0x1  }
0x10b: {  	s0 =	simm.s32 $0x30  }
0x10c: {  	v24 =	vadd.s32 s0, v12  }
0x10d: {  	v21 =	vsub.s32 v21, v24;
	v25, _, _ =	vpop (xrf0)  }
0x10e: {  	vm2 =	vlt.u32 v21, $0x10;
	v20 =	vmax.u32 v25, v20  }
0x10f: {  	v23 =	vld.idx.msk [tilespmem:v23+s12+$0x0], $0xffff;
	_ =	sdelay $0x1  }
0x110: {  	v16 =	vld.idx.msk [tilespmem:v16+s4+$0x0], $0xffff  }
0x111: {  	v15 =	vld.idx.msk [tilespmem:v15+s10+$0x0], $0xffff  }
0x112: {  	v20 =	vld.idx.msk [tilespmem:v20+s4+$0x0], $0xffff;
	[tilespmem:$0x1CCB0] =	vst v5  }
0x113: {  	[tilespmem:v21+s17+$0x0] =	vst.idx.msk vm2, v23  }
0x114: {  	v24 =	vadd.s32 $0xFFFFFFFF, v19;
	v25 =	vmpcnt.ones.xlane vm2;
	v21 =	vld [tilespmem:$0x1CCB0]  }
0x115: {  	vm2 =	vgt.s32 v24, $0x0  }
0x116: {  	v22 =	vmul.f32 v22, v22;
	v19 =	vadd.s32 v19, v25;
	v23 =	vnsel vm2, $0x0, v24  }
0x117: {  	v24 =	vadd.s32 v4, v19  }
0x118: {  	v22 =	vadd.f32 $9.999999970e-07, v22  }
0x119: {  	(xrf0) =	vmax.scan.msk.u32 $0xffff, v21  }
0x11a: {  	v25 =	vmul.f32 $5.000000000e-01, v22;
	v21 =	vshrl.u32 v22, $0x1  }
0x11b: {  	s31 =	sadd.s32 $0x40, s26;
	v17 =	vsub.f32 v18, v17;
	v23 =	vld.idx.msk [tilespmem:v23+s12+$0x0], $0xffff;
	v21 =	vsub.s32 $0x5F3759DF, v21  }
0x11c: {  	s1 =	sadd.s32 $0x80000000, s31;
	v18 =	vld.idx.msk [tilespmem:v24+s11+$0x0], $0xffff;
	v25 =	vmul.f32 v21, v25  }
0x11d: {  	v26 =	vadd.s32 s1, v4;
	v17 =	vmul.f32 v17, v17  }
0x11e: {  	vm2 =	vlt.s32 v26, v13;
	v25 =	vmul.f32 v21, v25  }
0x11f: {  	v17 =	vadd.f32 $9.999999970e-07, v17;
	v26 =	vsel vm2, v26, v13;
	v28, _, _ =	vpop (xrf0)  }
0x120: {  	v27 =	vadd.s32 s29, v12;
	v25 =	vsub.f32 $1.500000000e+00, v25;
	v23 =	vmax.u32 v28, v23  }
0x121: {  	v58 =	vmul.f32 $5.000000000e-01, v17;
	v18 =	vsub.s32 v18, v27;
	v27 =	vshrl.u32 v17, $0x1  }
0x122: {  	v15 =	vld.idx.msk [tilespmem:v15+s4+$0x0], $0xffff;
	vm3 =	vlt.u32 v18, $0x10;
	v21 =	vmul.f32 v21, v25;
	v25 =	vsub.s32 $0x5F3759DF, v27  }
0x123: {  	v16 =	vsub.f32 v20, v16;
	v24 =	vld.idx.msk [tilespmem:v24+s12+$0x0], $0xffff;
	v27 =	vmul.f32 v25, v58  }
0x124: {  	v29 =	vadd.s32 s3, v11;
	v21 =	vmul.f32 v21, v22;
	v22 =	vld.idx.msk [tilespmem:v26+s10+$0x0], $0xffff  }
0x125: {  	v16 =	vmul.f32 v16, v16;
	v26 =	vadd.s32 s30, v11;
	v27 =	vmul.f32 v25, v27;
	v20 =	vld.idx.msk [tilespmem:v23+s4+$0x0], $0xffff  }
0x126: {  	vm10 =	vge.s32 v26, v7;
	vm5 =	vlt.s32 v26, v9;
	v26 =	vmpcnt.ones.xlane vm3  }
0x127: {  	vm11 =	vge.s32 v14, v7;
	vm4 =	vlt.s32 v29, v9;
	[tilespmem:$0x1CC80] =	vst v5;
	v23 =	vsub.f32 $1.500000000e+00, v27  }
0x128: {  	v16 =	vadd.f32 $9.999999970e-07, v16;
	[tilespmem:v18+s14+$0x0] =	vst.idx.msk vm3, v24;
	v18 =	vadd.s32 $0xFFFFFFFF, v19;
	v19 =	vadd.s32 v19, v26  }
0x129: {  	v27 =	vld [tilespmem:$0x1CC80];
	vm3 =	vgt.s32 v18, $0x0;
	v26 =	vadd.s32 v4, v19;
	v23 =	vmul.f32 v25, v23  }
0x12a: {  	v25 =	vmul.f32 $5.000000000e-01, v16;
	v15 =	vsub.f32 v20, v15;
	v20 =	vshrl.u32 v16, $0x1  }
0x12b: {  	vm2 =	vge.s32 v29, v7;
	v18 =	vnsel vm3, $0x0, v18;
	v20 =	vsub.s32 $0x5F3759DF, v20  }
0x12c: {  	v21 =	vadd.f32 $-1.000000050e-03, v21;
	v17 =	vmul.f32 v23, v17;
	v23 =	vmul.f32 v20, v25  }
0x12d: {  	vm2 =	vmand vm2, vm4;
	vm4 =	vmand vm10, vm5;
	v15 =	vmul.f32 v15, v15  }
0x12e: {  	s3 =	sadd.s32 $0x80000010, s31;
	v21 =	vnsel vm4, $0x0, v21;
	(xrf0) =	vmax.scan.msk.u32 $0xffff, v27;
	v14 =	vadd.f32 $-1.000000050e-03, v17;
	v23 =	vmul.f32 v20, v23  }
0x12f: {  	v25 =	vld.idx.msk [tilespmem:v26+s11+$0x0], $0xffff;
	v17 =	vadd.f32 $9.999999970e-07, v15;
	v15 =	vadd.f32 v21, v10;
	v21 =	vadd.s32 s3, v4  }
0x130: {  	v18 =	vld.idx.msk [tilespmem:v18+s12+$0x0], $0xffff;
	vm12 =	vlt.s32 v21, v13;
	v23 =	vsub.f32 $1.500000000e+00, v23  }
0x131: {  	v27 =	vshrl.u32 v17, $0x1;
	v59 =	vmul.f32 $5.000000000e-01, v17;
	v21 =	vsel vm12, v21, v13  }
0x132: {  	v27 =	vsub.s32 $0x5F3759DF, v27  }
0x133: {  	vm1 =	vmand vm11, vm1;
	s1 =	sadd.s32 $0x80000020, s31;
	s3 =	simm.s32 $0x50;
	v28 =	vmul.f32 v27, v59  }
0x134: {  	v60 =	vadd.s32 s1, v4;
	v30 =	vadd.s32 s3, v12;
	v20 =	vmul.f32 v20, v23;
	v23, _, _ =	vpop (xrf0)  }
0x135: {  	s31 =	sadd.s32 $0x80000030, s31;
	v25 =	vsub.s32 v25, v30;
	v18 =	vmax.u32 v23, v18;
	v23 =	vmul.f32 v27, v28  }
0x136: {  	v61 =	vadd.s32 s31, v4;
	v24 =	vadd.s32 s0, v11;
	vm13 =	vlt.u32 v25, $0x10;
	v31 =	vld.idx.msk [tilespmem:v21+s10+$0x0], $0xffff  }
0x137: {  	v62 =	vadd.s32 $0xFFFFFFFF, v19;
	vm15 =	vge.s32 v24, v7;
	v21 =	vsub.f32 $1.500000000e+00, v23;
	v23 =	vld.idx.msk [tilespmem:v26+s12+$0x0], $0xffff  }
0x138: {  	v14 =	vnsel vm1, $0x0, v14;
	vm1 =	vlt.s32 v60, v13;
	v20 =	vmul.f32 v20, v16  }
0x139: {  	vm3 =	vlt.s32 v24, v9;
	v16 =	vsel vm1, v60, v13;
	vm1 =	vlt.s32 v61, v13  }
0x13a: {  	v22 =	vld.idx.msk [tilespmem:v22+s4+$0x0], $0xffff;
	v20 =	vadd.f32 $-1.000000050e-03, v20;
	v26 =	vmul.f32 v27, v21;
	v27 =	vmpcnt.ones.xlane vm13  }
0x13b: {  	p3 =	seq.s32 s28, $0x80;
	vm14 =	vgt.s32 v62, $0x0;
	v14 =	vadd.f32 v14, v15;
	v15 =	vsel vm1, v61, v13;
	v63 =	vld.idx.msk [tilespmem:v18+s4+$0x0], $0xffff;
	[tilespmem:$0x1CC90] =	vst v5  }
.Ltmp8:
0x13c: {  	v18 =	vnsel vm2, $0x0, v20;
	v19 =	vadd.s32 v19, v27;
	v17 =	vmul.f32 v26, v17;
	[tilespmem:v25+s15+$0x0] =	vst.idx.msk vm13, v23;
	(pc) =	sbr.rel @p3 .LBB2_13-.Ltmp8, $4  }
0x13d: {  	v21 =	vnsel vm14, $0x0, v62;
	v18 =	vadd.f32 v18, v14;
	v20 =	vadd.s32 $0xFFFFFFFF, v19;
	v25 =	vld [tilespmem:$0x1CC90]  }
0x13e: {  	v23 =	vadd.s32 v4, v19;
	vm2 =	vgt.s32 v20, $0x0;
	v24 =	vadd.f32 $-1.000000050e-03, v17  }
0x13f: {  	v14 =	vadd.s32 s3, v11;
	v20 =	vnsel vm2, $0x0, v20;
	vm2 =	vmand vm15, vm3  }
0x140: {  	p2 =	por $0x1, $0x1;
	s30 =	simm.s32 $0x80;
	vm1 =	vlt.s32 v14, v9;
	v17 =	vld.idx.msk [tilespmem:v31+s4+$0x0], $0xffff;
	v22 =	vsub.f32 v63, v22;
	v24 =	vnsel vm2, $0x0, v24  }
.LBB2_14:
0x141: {  	v18 =	vadd.f32 v24, v18;
	s31 =	smov.u32 s30;
	s30 =	sadd.s32 $0x40, s30  }
0x142: {  	p3 =	seq.s32 s28, s30;
	v22 =	vmul.f32 v22, v22;
	v21 =	vld.idx.msk [tilespmem:v21+s12+$0x0], $0xffff;
	(xrf0) =	vmax.scan.msk.u32 $0xffff, v25  }
0x143: {  	v24 =	vld.idx.msk [tilespmem:v23+s11+$0x0], $0xffff  }
0x144: {  	v22 =	vadd.f32 $9.999999970e-07, v22;
	_ =	sdelay $0x1  }
0x145: {  	v25 =	vshrl.u32 v22, $0x1;
	v26 =	vmul.f32 $5.000000000e-01, v22  }
0x146: {  	s0 =	sadd.s32 $0x20, s29;
	v25 =	vsub.s32 $0x5F3759DF, v25  }
0x147: {  	v27 =	vadd.s32 s0, v12;
	v28 =	vadd.s32 s0, v11;
	v26 =	vmul.f32 v25, v26;
	v29, _, _ =	vpop (xrf0)  }
0x148: {  	vm2 =	vge.s32 v28, v7;
	v24 =	vsub.s32 v24, v27;
	v21 =	vmax.u32 v29, v21  }
0x149: {  	vm4 =	vlt.s32 v28, v9;
	vm3 =	vlt.u32 v24, $0x10;
	v26 =	vmul.f32 v25, v26;
	v23 =	vld.idx.msk [tilespmem:v23+s12+$0x0], $0xffff  }
0x14a: {  	vm2 =	vmand vm2, vm4;
	v27 =	vmpcnt.ones.xlane vm3  }
0x14b: {  	v26 =	vsub.f32 $1.500000000e+00, v26  }
0x14c: {  	v19 =	vadd.s32 v19, v27;
	v16 =	vld.idx.msk [tilespmem:v16+s10+$0x0], $0xffff  }
0x14d: {  	v27 =	vadd.s32 $0xFFFFFFFF, v19;
	v25 =	vmul.f32 v25, v26;
	v21 =	vld.idx.msk [tilespmem:v21+s4+$0x0], $0xffff;
	v26 =	vadd.s32 v4, v19  }
0x14e: {  	vm4 =	vgt.s32 v27, $0x0;
	[tilespmem:$0x1CCA0] =	vst v5  }
0x14f: {  	v22 =	vmul.f32 v25, v22;
	[tilespmem:v24+s16+$0x0] =	vst.idx.msk vm3, v23;
	v23 =	vnsel vm4, $0x0, v27  }
0x150: {  	v24 =	vadd.s32 s29, v11;
	v25 =	vld [tilespmem:$0x1CCA0]  }
0x151: {  	vm3 =	vge.s32 v24, v7;
	vm4 =	vlt.s32 v24, v9;
	v22 =	vadd.f32 $-1.000000050e-03, v22;
	v20 =	vld.idx.msk [tilespmem:v20+s12+$0x0], $0xffff  }
0x152: {  	vm3 =	vmand vm3, vm4;
	v24 =	vld.idx.msk [tilespmem:v26+s11+$0x0], $0xffff  }
0x153: {  	v17 =	vsub.f32 v21, v17;
	v22 =	vnsel vm3, $0x0, v22;
	v21 =	vld.idx.msk [tilespmem:v26+s12+$0x0], $0xffff  }
0x154: {  	v16 =	vld.idx.msk [tilespmem:v16+s4+$0x0], $0xffff  }
0x155: {  	v17 =	vmul.f32 v17, v17;
	v15 =	vld.idx.msk [tilespmem:v15+s10+$0x0], $0xffff;
	(xrf0) =	vmax.scan.msk.u32 $0xffff, v25;
	_ =	sdelay $0x1  }
0x156: {  	v25 =	vadd.f32 $9.999999970e-07, v17;
	_ =	sdelay $0x1  }
0x157: {  	v17 =	vshrl.u32 v25, $0x1;
	v26 =	vmul.f32 $5.000000000e-01, v25  }
0x158: {  	s0 =	sadd.s32 $0x30, s29;
	s29 =	smov.u32 s31;
	v27 =	vsub.s32 $0x5F3759DF, v17  }
0x159: {  	v28 =	vadd.s32 s0, v12;
	v17 =	vadd.s32 s0, v11;
	v26 =	vmul.f32 v27, v26;
	v29, _, _ =	vpop (xrf0)  }
0x15a: {  	v24 =	vsub.s32 v24, v28;
	vm3 =	vlt.s32 v17, v9;
	v20 =	vmax.u32 v29, v20  }
0x15b: {  	vm4 =	vlt.u32 v24, $0x10;
	v26 =	vmul.f32 v27, v26  }
0x15c: {  	v28 =	vmpcnt.ones.xlane vm4  }
0x15d: {  	v26 =	vsub.f32 $1.500000000e+00, v26  }
0x15e: {  	v19 =	vadd.s32 v19, v28  }
0x15f: {  	v28 =	vadd.s32 $0xFFFFFFFF, v19;
	v26 =	vmul.f32 v27, v26;
	v20 =	vld.idx.msk [tilespmem:v20+s4+$0x0], $0xffff  }
0x160: {  	vm5 =	vgt.s32 v28, $0x0;
	[tilespmem:$0x1CCB0] =	vst v5  }
0x161: {  	v27 =	vnsel vm5, $0x0, v28;
	v25 =	vmul.f32 v26, v25;
	[tilespmem:v24+s17+$0x0] =	vst.idx.msk vm4, v21  }
0x162: {  	v21 =	vld [tilespmem:$0x1CCB0]  }
0x163: {  	v24 =	vadd.s32 v4, v19;
	vm4 =	vge.s32 v14, v7;
	v14 =	vadd.f32 $-1.000000050e-03, v25;
	v23 =	vld.idx.msk [tilespmem:v23+s12+$0x0], $0xffff  }
0x164: {  	v18 =	vadd.f32 v22, v18;
	vm1 =	vmand vm4, vm1;
	v22 =	vld.idx.msk [tilespmem:v15+s4+$0x0], $0xffff  }
0x165: {  	v14 =	vnsel vm1, $0x0, v14;
	v15 =	vsub.f32 v20, v16  }
0x166: {  	v14 =	vadd.f32 v14, v18  }
0x167: {  	v15 =	vmul.f32 v15, v15;
	(xrf0) =	vmax.scan.msk.u32 $0xffff, v21  }
0x168: {  	v16 =	vld.idx.msk [tilespmem:v24+s11+$0x0], $0xffff  }
0x169: {  	s0 =	sadd.s32 s29, s26;
	v18 =	vadd.f32 $9.999999970e-07, v15  }
0x16a: {  	s1 =	sadd.s32 $0x80000000, s0;
	s3 =	sadd.s32 $0x80000010, s0;
	v15 =	vadd.s32 s29, v12  }
0x16b: {  	v20 =	vadd.s32 s1, v4;
	s1 =	sadd.s32 $0x80000020, s0;
	s0 =	sadd.s32 $0x80000030, s0;
	v21 =	vshrl.u32 v18, $0x1;
	v25 =	vmul.f32 $5.000000000e-01, v18  }
0x16c: {  	v26 =	vadd.s32 s3, v4;
	vm1 =	vlt.s32 v20, v13;
	v21 =	vsub.s32 $0x5F3759DF, v21  }
0x16d: {  	v20 =	vsel vm1, v20, v13;
	vm1 =	vlt.s32 v26, v13;
	v25 =	vmul.f32 v21, v25;
	v28, _, _ =	vpop (xrf0)  }
0x16e: {  	v29 =	vsub.s32 v16, v15;
	v15 =	vadd.s32 s1, v4;
	v23 =	vmax.u32 v28, v23  }
0x16f: {  	vm4 =	vlt.u32 v29, $0x10;
	vm5 =	vlt.s32 v15, v13;
	v25 =	vmul.f32 v21, v25;
	v24 =	vld.idx.msk [tilespmem:v24+s12+$0x0], $0xffff  }
0x170: {  	v26 =	vsel vm1, v26, v13;
	v28 =	vmpcnt.ones.xlane vm4;
	v16 =	vsel vm5, v15, v13  }
0x171: {  	v15 =	vadd.s32 s0, v4;
	v25 =	vsub.f32 $1.500000000e+00, v25  }
0x172: {  	vm1 =	vlt.s32 v15, v13;
	v19 =	vadd.s32 v19, v28;
	v20 =	vld.idx.msk [tilespmem:v20+s10+$0x0], $0xffff  }
0x173: {  	v28 =	vadd.s32 v4, v19;
	v30 =	vadd.s32 $0xFFFFFFFF, v19;
	v25 =	vmul.f32 v21, v25;
	v23 =	vld.idx.msk [tilespmem:v23+s4+$0x0], $0xffff  }
0x174: {  	v15 =	vsel vm1, v15, v13;
	vm5 =	vgt.s32 v30, $0x0;
	[tilespmem:$0x1CC80] =	vst v5  }
0x175: {  	v21 =	vnsel vm5, $0x0, v30;
	v18 =	vmul.f32 v25, v18;
	[tilespmem:v29+s14+$0x0] =	vst.idx.msk vm4, v24  }
0x176: {  	v24 =	vld [tilespmem:$0x1CC80]  }
0x177: {  	v18 =	vadd.f32 $-1.000000050e-03, v18;
	_ =	sdelay $0x1  }
0x178: {  	v18 =	vnsel vm2, $0x0, v18;
	v22 =	vsub.f32 v23, v22  }
0x179: {  	v18 =	vadd.f32 v18, v14  }
0x17a: {  	v14 =	vmul.f32 v22, v22;
	v23 =	vld.idx.msk [tilespmem:v27+s12+$0x0], $0xffff;
	(xrf0) =	vmax.scan.msk.u32 $0xffff, v24  }
0x17b: {  	v22 =	vld.idx.msk [tilespmem:v28+s11+$0x0], $0xffff  }
0x17c: {  	v24 =	vadd.f32 $9.999999970e-07, v14;
	_ =	sdelay $0x1  }
0x17d: {  	v14 =	vshrl.u32 v24, $0x1;
	v25 =	vmul.f32 $5.000000000e-01, v24  }
0x17e: {  	s0 =	sadd.s32 $0x10, s29;
	v27 =	vsub.s32 $0x5F3759DF, v14  }
0x17f: {  	v29 =	vadd.s32 s0, v12;
	v14 =	vadd.s32 s0, v11;
	v25 =	vmul.f32 v27, v25;
	v30, _, _ =	vpop (xrf0)  }
0x180: {  	vm1 =	vlt.s32 v14, v9;
	v22 =	vsub.s32 v22, v29;
	v23 =	vmax.u32 v30, v23  }
0x181: {  	vm2 =	vlt.u32 v22, $0x10;
	v25 =	vmul.f32 v27, v25;
	v28 =	vld.idx.msk [tilespmem:v28+s12+$0x0], $0xffff  }
0x182: {  	v29 =	vmpcnt.ones.xlane vm2  }
0x183: {  	v25 =	vsub.f32 $1.500000000e+00, v25;
	v26 =	vld.idx.msk [tilespmem:v26+s10+$0x0], $0xffff  }
0x184: {  	v19 =	vadd.s32 v19, v29;
	v30 =	vld.idx.msk [tilespmem:v20+s4+$0x0], $0xffff  }
0x185: {  	v20 =	vadd.s32 $0xFFFFFFFF, v19;
	v29 =	vld.idx.msk [tilespmem:v23+s4+$0x0], $0xffff;
	v23 =	vmul.f32 v27, v25  }
0x186: {  	vm4 =	vgt.s32 v20, $0x0;
	[tilespmem:$0x1CC90] =	vst v5  }
.Ltmp9:
0x187: {  	v20 =	vnsel vm4, $0x0, v20;
	[tilespmem:v22+s15+$0x0] =	vst.idx.msk vm2, v28;
	v22 =	vmul.f32 v23, v24;
	(pc) =	sbr.rel @!p3 .LBB2_14-.Ltmp9, $4  }
0x188: {  	v25 =	vld [tilespmem:$0x1CC90]  }
0x189: {  	v23 =	vadd.s32 v4, v19;
	vm2 =	vge.s32 v17, v7;
	v24 =	vadd.f32 $-1.000000050e-03, v22  }
0x18a: {  	vm2 =	vmand vm2, vm3  }
0x18b: {  	v22 =	vsub.f32 v29, v30;
	v17 =	vld.idx.msk [tilespmem:v26+s4+$0x0], $0xffff;
	v24 =	vnsel vm2, $0x0, v24  }
.Ltmp10:
0x18c: {  	(pc) =	sbr.rel .LBB2_16-.Ltmp10, $2  }
0x18d: {  	_ =	sdelay $0x2  }
0x18e: {  	s30 =	smov.u32 s29  }
.LBB2_13:
.Ltmp11:
0x18f: {  	(pc) =	sbr.rel .LBB2_16-.Ltmp11, $2  }
0x190: {  	_ =	sdelay $0x2  }
0x191: {  	s30 =	simm.s32 $0x40  }
.LBB2_6:
0x192: {  	_ =	sfence.sel $0x180000  }
0x193: {  	[bflag:$0x0] =	sbarrier.arrive $0xFFFF  }
0x194: {  	_ =	strace $0x90000047  }
0x195: {  	s0 =	stileid.u32;
	[bflag:$0x2] =	sbarrier.arrive $0xFFFF  }
0x196: {  	p0 =	sne.s32 s0, $0x0;
	s0 =	rddreg [dreg:$0x3]  }
0x197: {  	s0 =	sadd.s32 @!p0 $0x100000, s0  }
0x198: {  	[sflag:s0] =	ssyncadd.tile.s32 @!p0 $0x1;
	_ =	shalt  }
.Lfunc_end2:
_tile_overlayer_lowered:
.L_overlay_start_2:
0x199: {  	(tag) =	ssettag $0x2  }
0x19a: {  	s0 =	rddreg [dreg:$0x0];
	s2 =	stileid.u32  }
0x19b: {  	s1 =	rddreg [dreg:$0x1];
	p0 =	sne.s32 s2, $0x0  }
0x19c: {  	s3 =	rddreg [dreg:$0x2];
	[bflag:$0x3] =	sbarrier.arrive $0xFFFF;
	s2 =	simm.s32 @!p0 $0x1C04  }
0x19d: {  	[timem:s3], [sflag:s2] =	dma.local @!p0 [hbm:s0], s1  }
0x19e: {  	s0 =	simm.s32 @!p0 $0x4  }
0x19f: {  	_ =	swait.ge @!p0 [sflag:s0], s1  }
0x1a0: {  	s1 =	ssub.s32 @!p0 $0x0, s1;
	[sflag:s0] =	ssyncset.done @!p0 $0x0  }
0x1a1: {  	[sflag:s0] =	ssyncadd.s32 @!p0 s1  }
0x1a2: {  	[bflag:$0x3] =	sbarrier.arrive $0xFFFF  }
0x1a3: {  	_ =	shalt  }

</sc_bundles>
